<compile_context>
chip_gen: v7x
topology: tpu7x:2x2x1
jax: 0.10.2.dev20260603
libtpu: 0.0.44.dev20260713+nightly
codegen_flags: <defaults>
</compile_context>

<pallas_src>
import functools

import jax
import jax.numpy as jnp
from jax import lax
from jax.experimental import pallas as pl
from jax.experimental.pallas import tpu as pltpu
from jax.experimental.pallas import tpu_sc as plsc

N = 10000
E = 320000
D = 128

NC = 2
NS = 16
NW = NC * NS
EPW = E // NW

KD = 125
NCHD = EPW // KD

KC = 80
EPWP = EPW
NCH = EPWP // KC
NGRP = NCH // 2

RPT = 624
RLAST = N - RPT * (NS - 1)

_mesh = plsc.VectorSubcoreMesh(core_axis_name="c", subcore_axis_name="s")


@functools.partial(
    pl.kernel,
    out_type=jax.ShapeDtypeStruct((NC * N,), jnp.float32),
    mesh=_mesh,
    scratch_types=[
        pltpu.VMEM((NCHD, KD), jnp.int32),
        pltpu.VMEM((128,), jnp.float32),
        pltpu.VMEM((RLAST,), jnp.float32),
        pltpu.VMEM_SHARED((N,), jnp.float32),
        pltpu.SemaphoreType.DMA,
        pltpu.SemaphoreType.DMA,
    ],
)
def _deg_kernel(dst3d, out, idx_v, ones_v, stage_v, deg_sh, dsem0, dsem1):
    cid = lax.axis_index("c")
    sid = lax.axis_index("s")
    wid = cid * NS + sid
    for i in range(128 // 16):
        ones_v[pl.ds(i * 16, 16)] = jnp.ones((16,), jnp.float32)
    for i in range(RLAST // 16):
        stage_v[pl.ds(i * 16, 16)] = jnp.zeros((16,), jnp.float32)
    pltpu.sync_copy(stage_v.at[pl.ds(0, RPT)], deg_sh.at[pl.ds(sid * RPT, RPT)])

    @pl.when(sid == NS - 1)
    def _():
        pltpu.sync_copy(stage_v.at[pl.ds(RPT, RLAST - RPT)],
                        deg_sh.at[pl.ds(RPT * NS, RLAST - RPT)])

    pltpu.sync_copy(dst3d.at[wid], idx_v)
    plsc.subcore_barrier()
    dsems = (dsem0, dsem1)

    def step(jj, carry):
        for h in range(2):
            j = jj * 2 + h

            @pl.when(j >= 2)
            def _():
                pltpu.make_async_copy(out.at[pl.ds(0, KD)],
                                      ones_v.at[pl.ds(0, KD)], dsems[h]).wait()
            pltpu.async_copy(ones_v.at[pl.ds(0, KD)],
                             deg_sh.at[idx_v.at[j]], dsems[h], add=True)
        return carry

    lax.fori_loop(0, NCHD // 2, step, 0)
    pltpu.make_async_copy(out.at[pl.ds(0, KD)], ones_v.at[pl.ds(0, KD)],
                          dsem0).wait()
    pltpu.make_async_copy(out.at[pl.ds(0, KD)], ones_v.at[pl.ds(0, KD)],
                          dsem1).wait()
    plsc.subcore_barrier()
    pltpu.sync_copy(deg_sh.at[pl.ds(sid * RPT, RPT)], stage_v.at[pl.ds(0, RPT)])
    pltpu.sync_copy(stage_v.at[pl.ds(0, RPT)],
                    out.at[pl.ds(cid * N + sid * RPT, RPT)])

    @pl.when(sid == NS - 1)
    def _():
        pltpu.sync_copy(deg_sh.at[pl.ds(RPT * NS, RLAST - RPT)],
                        stage_v.at[pl.ds(RPT, RLAST - RPT)])
        pltpu.sync_copy(stage_v.at[pl.ds(RPT, RLAST - RPT)],
                        out.at[pl.ds(cid * N + RPT * NS, RLAST - RPT)])


@functools.partial(
    pl.kernel,
    out_type=jax.ShapeDtypeStruct((NC, N, D), jnp.float32),
    mesh=_mesh,
    scratch_types=[
        pltpu.VMEM((EPWP,), jnp.int32),
        pltpu.VMEM((EPWP,), jnp.int32),
        pltpu.VMEM((3, KC, D), jnp.float32),
        pltpu.VMEM_SHARED((N, D), jnp.float32),
        pltpu.SemaphoreType.DMA,
        pltpu.SemaphoreType.DMA,
        pltpu.SemaphoreType.DMA,
        pltpu.SemaphoreType.DMA,
    ],
)
def _gather_scatter_kernel(z, srcp, dstp2, zerosd, out,
                           src_v, didx_v, rows_v, acc_sh,
                           gsem, ssem0, ssem1, ssem2):
    cid = lax.axis_index("c")
    sid = lax.axis_index("s")
    wid = cid * NS + sid
    pltpu.sync_copy(zerosd.at[pl.ds(0, RPT)], acc_sh.at[pl.ds(sid * RPT, RPT)])

    @pl.when(sid == NS - 1)
    def _():
        pltpu.sync_copy(zerosd.at[pl.ds(RPT, RLAST - RPT)],
                        acc_sh.at[pl.ds(RPT * NS, RLAST - RPT)])

    pltpu.sync_copy(srcp.at[wid], src_v)
    pltpu.sync_copy(dstp2.at[wid], didx_v)
    plsc.subcore_barrier()

    ssems = (ssem0, ssem1, ssem2)
    NSLOT = 3

    def body(gg, carry):
        gds = []
        for h in range(NSLOT):
            g = gg * NSLOT + h
            @pl.when(g >= NSLOT)
            def _():
                pltpu.make_async_copy(z.at[pl.ds(0, KC)], rows_v.at[h],
                                      ssems[h]).wait()
            off = pl.multiple_of(g * KC, 8)
            gds.append(pltpu.async_copy(
                z.at[src_v.at[pl.ds(off, KC)]], rows_v.at[h], gsem))
        for h in range(NSLOT):
            g = gg * NSLOT + h
            goff = pl.multiple_of(g * KC, 8)
            gds[h].wait()
            pltpu.async_copy(rows_v.at[h],
                             acc_sh.at[didx_v.at[pl.ds(goff, KC)]],
                             ssems[h], add=True)
        return carry

    nbody = NCH // NSLOT
    lax.fori_loop(0, nbody, body, 0)
    for t in range(NCH - nbody * NSLOT):
        j = nbody * NSLOT + t
        pltpu.make_async_copy(z.at[pl.ds(0, KC)], rows_v.at[t], ssems[t]).wait()
        pltpu.async_copy(z.at[src_v.at[pl.ds(j * KC, KC)]], rows_v.at[t],
                         gsem).wait()
        pltpu.sync_copy(rows_v.at[t], acc_sh.at[didx_v.at[pl.ds(j * KC, KC)]],
                        add=True)
    pltpu.make_async_copy(z.at[pl.ds(0, KC)], rows_v.at[2], ssem2).wait()
    plsc.subcore_barrier()
    pltpu.sync_copy(acc_sh.at[pl.ds(sid * RPT, RPT)],
                    out.at[cid, pl.ds(sid * RPT, RPT)])

    @pl.when(sid == NS - 1)
    def _():
        pltpu.sync_copy(acc_sh.at[pl.ds(RPT * NS, RLAST - RPT)],
                        out.at[cid, pl.ds(RPT * NS, RLAST - RPT)])


def _mm_body(x_ref, wt_ref, b_ref, deg_ref, z_ref):
    y = jnp.dot(x_ref[...], wt_ref[...], preferred_element_type=jnp.float32)
    y = y + b_ref[...]
    deg = deg_ref[...]
    d = deg[0] + deg[1] + 1.0
    z_ref[...] = y * lax.rsqrt(d)


def _final_body(acc_ref, z_ref, deg_ref, o_ref):
    deg = deg_ref[...]
    d = deg[0] + deg[1] + 1.0
    norm = lax.rsqrt(d)
    acc = acc_ref[...]
    s = (acc[0] + acc[1] + z_ref[...]) * norm
    o_ref[...] = jnp.maximum(s, 0.0)


def kernel(X, edge_index, W, b):
    src = edge_index[0].astype(jnp.int32)
    dst = edge_index[1].astype(jnp.int32)
    dst3d = dst.reshape(NW, NCHD, KD)

    srcp = src.reshape(NW, EPW)
    dstp2 = dst.reshape(NW, EPW)

    zerosd = jnp.zeros((RLAST, D), jnp.float32)

    degflat = _deg_kernel(dst3d)
    deg = degflat.reshape(NC, N, 1)

    z = pl.pallas_call(
        _mm_body,
        out_shape=jax.ShapeDtypeStruct((N, D), jnp.float32),
    )(X, W.T, b.reshape(1, D), deg)

    acc = _gather_scatter_kernel(z, srcp, dstp2, zerosd)

    out = pl.pallas_call(
        _final_body,
        out_shape=jax.ShapeDtypeStruct((N, D), jnp.float32),
    )(acc, z, deg)
    return out

# --- scband reference (transcript-rebuilt; emitter-appended) ---
"""Pipeline reference for scband-hyper-gcnconv-21131239096599 (READ-ONLY COPY).

The authoritative reference and input builder live on the scoring server;
editing this copy changes nothing except your own understanding.
"""

import jax, jax.numpy as jnp
import numpy as np

N_NODES = 10000
N_EDGES = 320000
D_IN = 128
D_OUT = 128

def setup_inputs(seed: int = 0) -> dict:
    key = jax.random.key(seed)
    k1, k2, k3, k4 = jax.random.split(key, 4)
    X = jax.random.normal(k1, (N_NODES, D_IN), dtype=jnp.float32)
    edge_index = jax.random.randint(k2, (2, N_EDGES), 0, N_NODES, dtype=jnp.int64)
    # theta: nn.Linear(in_channels, out_channels, bias=True)
    W = jax.random.normal(k3, (D_OUT, D_IN), dtype=jnp.float32) * (1.0 / np.sqrt(D_IN))
    b = jax.random.normal(k4, (D_OUT,), dtype=jnp.float32) * 0.01
    return {"X": X, "edge_index": edge_index, "W": W, "b": b}

def reference(X, edge_index, W, b):
    # X = self.theta(X)
    X = X @ W.T + b
    N = X.shape[0]
    src = edge_index[0]
    dst = edge_index[1]
    # GCN smoothing with the (cached) hypergraph-derived graph:
    # X <- D^{-1/2} (A + I) D^{-1/2} X
    deg = jnp.zeros((N,), dtype=X.dtype).at[dst].add(1.0) + 1.0  # A + I degree
    norm = deg ** -0.5
    coef = (norm[src] * norm[dst])[:, None]
    msg = jnp.take(X, src, axis=0) * coef
    out = jnp.zeros_like(X).at[dst].add(msg)
    out = out + X * (norm * norm)[:, None]  # self-loop term
    # not is_last: ReLU; bn is None; dropout rate 0.0 -> identity
    out = jax.nn.relu(out)
    return out

if __name__ == "__main__":
    import jax
    _d = setup_inputs()
    print(jax.jit(kernel)(*tuple(_d.values())))

</pallas_src>

<mosaic_0001>
#map = affine_map<(d0, d1) -> (0, 0)>
#map1 = affine_map<(d0, d1) -> (0, 0, 0)>
module attributes {stable_mosaic.version = 14 : i64} {
  func.func @_gather_scatter_kernel(%arg0: i32, %arg1: i32, %arg2: memref<10000x128xf32, #tpu.memory_space<hbm>>, %arg3: memref<32x10000xi32, #tpu.memory_space<hbm>>, %arg4: memref<32x10000xi32, #tpu.memory_space<hbm>>, %arg5: memref<640x128xf32, #tpu.memory_space<hbm>>, %arg6: memref<2x10000x128xf32, #tpu.memory_space<hbm>>, %arg7: memref<10000xi32, #tpu.memory_space<vmem>>, %arg8: memref<10000xi32, #tpu.memory_space<vmem>>, %arg9: memref<3x80x128xf32, #tpu.memory_space<vmem>>, %arg10: memref<10000x128xf32, #tpu.memory_space<vmem_shared>>, %arg11: memref<!tpu.dma_semaphore, #tpu.memory_space<semaphore_mem>>, %arg12: memref<!tpu.dma_semaphore, #tpu.memory_space<semaphore_mem>>, %arg13: memref<!tpu.dma_semaphore, #tpu.memory_space<semaphore_mem>>, %arg14: memref<!tpu.dma_semaphore, #tpu.memory_space<semaphore_mem>>) attributes {dimension_semantics = [#tpu.dimension_semantics<core_parallel>, #tpu.dimension_semantics<subcore_parallel>], iteration_bounds = array<i64: 2, 16>, scalar_prefetch = 0 : i64, scratch_operands = 8 : i64, tpu.core_type = #tpu.core_type<sc_vector_subcore>, window_params = [{transform_indices = #map}, {transform_indices = #map}, {transform_indices = #map}, {transform_indices = #map}, {transform_indices = #map1}]} {
    %mul3A = arith.constant 16 : i32
    %mul3A_0 = arith.muli %arg0, %mul3A : i32
    %add3A = arith.addi %mul3A_0, %arg1 : i32
    %mul3A_1 = arith.constant 624 : i32
    %mul3A_2 = arith.muli %arg1, %mul3A_1 : i32
    "tpu.region"() ({
      %run_scoped3A_104 = tpu.sem_alloc : memref<!tpu.dma_semaphore, #tpu.memory_space<semaphore_mem>>
      %dma_start3A_105 = arith.constant 0 : i32
      %dma_start3A_106 = tpu.memref_slice %arg10[%mul3A_2, %dma_start3A_105] : memref<10000x128xf32, #tpu.memory_space<vmem_shared>> -> memref<624x128xf32, #tpu.memory_space<vmem_shared>>
      %dma_start3A_107 = arith.constant 0 : i32
      %dma_start3A_108 = arith.constant 0 : i32
      %dma_start3A_109 = tpu.memref_slice %arg5[%dma_start3A_107, %dma_start3A_108] : memref<640x128xf32, #tpu.memory_space<hbm>> -> memref<624x128xf32, #tpu.memory_space<hbm>>
      tpu.enqueue_dma source(%dma_start3A_109 : memref<624x128xf32, #tpu.memory_space<hbm>>) target(%dma_start3A_106 : memref<624x128xf32, #tpu.memory_space<vmem_shared>>) target_semaphore(%run_scoped3A_104 : memref<!tpu.dma_semaphore, #tpu.memory_space<semaphore_mem>>)
      %dma_wait3A_110 = arith.constant 0 : i32
      %dma_wait3A_111 = tpu.memref_slice %arg10[%mul3A_2, %dma_wait3A_110] : memref<10000x128xf32, #tpu.memory_space<vmem_shared>> -> memref<624x128xf32, #tpu.memory_space<vmem_shared>>
      %dma_wait3A_112 = arith.constant 0 : i32
      %dma_wait3A_113 = arith.constant 0 : i32
      %dma_wait3A_114 = tpu.memref_slice %arg5[%dma_wait3A_112, %dma_wait3A_113] : memref<640x128xf32, #tpu.memory_space<hbm>> -> memref<624x128xf32, #tpu.memory_space<hbm>>
      tpu.wait_dma2 semaphore(%run_scoped3A_104 : memref<!tpu.dma_semaphore, #tpu.memory_space<semaphore_mem>>) src(%dma_wait3A_114 : memref<624x128xf32, #tpu.memory_space<hbm>>) dst(%dma_wait3A_111 : memref<624x128xf32, #tpu.memory_space<vmem_shared>>)
      tpu.yield
    }) : () -> ()
    %eq3A = arith.constant 15 : i32
    %eq3A_3 = arith.cmpi eq, %arg1, %eq3A : i32
    %convert_element_type3A = arith.extui %eq3A_3 : i1 to i32
    %cond3A = arith.constant 0 : i32
    %cond3A_4 = arith.cmpi ne, %convert_element_type3A, %cond3A : i32
    scf.if %cond3A_4 {
      "tpu.region"() ({
        %run_scoped3A_104 = tpu.sem_alloc : memref<!tpu.dma_semaphore, #tpu.memory_space<semaphore_mem>>
        %dma_start3A_105 = arith.constant 9984 : i32
        %dma_start3A_106 = arith.constant 0 : i32
        %dma_start3A_107 = tpu.memref_slice %arg10[%dma_start3A_105, %dma_start3A_106] : memref<10000x128xf32, #tpu.memory_space<vmem_shared>> -> memref<16x128xf32, #tpu.memory_space<vmem_shared>>
        %dma_start3A_108 = arith.constant 624 : i32
        %dma_start3A_109 = arith.constant 0 : i32
        %dma_start3A_110 = tpu.memref_slice %arg5[%dma_start3A_108, %dma_start3A_109] : memref<640x128xf32, #tpu.memory_space<hbm>> -> memref<16x128xf32, #tpu.memory_space<hbm>>
        tpu.enqueue_dma source(%dma_start3A_110 : memref<16x128xf32, #tpu.memory_space<hbm>>) target(%dma_start3A_107 : memref<16x128xf32, #tpu.memory_space<vmem_shared>>) target_semaphore(%run_scoped3A_104 : memref<!tpu.dma_semaphore, #tpu.memory_space<semaphore_mem>>)
        %dma_wait3A_111 = arith.constant 9984 : i32
        %dma_wait3A_112 = arith.constant 0 : i32
        %dma_wait3A_113 = tpu.memref_slice %arg10[%dma_wait3A_111, %dma_wait3A_112] : memref<10000x128xf32, #tpu.memory_space<vmem_shared>> -> memref<16x128xf32, #tpu.memory_space<vmem_shared>>
        %dma_wait3A_114 = arith.constant 624 : i32
        %dma_wait3A_115 = arith.constant 0 : i32
        %dma_wait3A_116 = tpu.memref_slice %arg5[%dma_wait3A_114, %dma_wait3A_115] : memref<640x128xf32, #tpu.memory_space<hbm>> -> memref<16x128xf32, #tpu.memory_space<hbm>>
        tpu.wait_dma2 semaphore(%run_scoped3A_104 : memref<!tpu.dma_semaphore, #tpu.memory_space<semaphore_mem>>) src(%dma_wait3A_116 : memref<16x128xf32, #tpu.memory_space<hbm>>) dst(%dma_wait3A_113 : memref<16x128xf32, #tpu.memory_space<vmem_shared>>)
        tpu.yield
      }) : () -> ()
    } else {
    }
    "tpu.region"() ({
      %run_scoped3A_104 = tpu.sem_alloc : memref<!tpu.dma_semaphore, #tpu.memory_space<semaphore_mem>>
      %dma_start3A_105 = arith.constant 0 : i32
      %dma_start3A_106 = tpu.memref_slice %arg3[%add3A, %dma_start3A_105] : memref<32x10000xi32, #tpu.memory_space<hbm>> -> memref<1x10000xi32, #tpu.memory_space<hbm>>
      %dma_start3A_107 = tpu.memref_squeeze %dma_start3A_106 : memref<1x10000xi32, #tpu.memory_space<hbm>> -> memref<10000xi32, #tpu.memory_space<hbm>>
      %dma_start3A_108 = arith.constant 0 : i32
      %dma_start3A_109 = tpu.memref_slice %arg3[%add3A, %dma_start3A_108] : memref<32x10000xi32, #tpu.memory_space<hbm>> -> memref<1x10000xi32, #tpu.memory_space<hbm>>
      %dma_start3A_110 = tpu.memref_squeeze %dma_start3A_109 : memref<1x10000xi32, #tpu.memory_space<hbm>> -> memref<10000xi32, #tpu.memory_space<hbm>>
      tpu.enqueue_dma source(%dma_start3A_110 : memref<10000xi32, #tpu.memory_space<hbm>>) target(%arg7 : memref<10000xi32, #tpu.memory_space<vmem>>) target_semaphore(%run_scoped3A_104 : memref<!tpu.dma_semaphore, #tpu.memory_space<semaphore_mem>>)
      %dma_wait3A_111 = arith.constant 0 : i32
      %dma_wait3A_112 = tpu.memref_slice %arg3[%add3A, %dma_wait3A_111] : memref<32x10000xi32, #tpu.memory_space<hbm>> -> memref<1x10000xi32, #tpu.memory_space<hbm>>
      %dma_wait3A_113 = tpu.memref_squeeze %dma_wait3A_112 : memref<1x10000xi32, #tpu.memory_space<hbm>> -> memref<10000xi32, #tpu.memory_space<hbm>>
      %dma_wait3A_114 = arith.constant 0 : i32
      %dma_wait3A_115 = tpu.memref_slice %arg3[%add3A, %dma_wait3A_114] : memref<32x10000xi32, #tpu.memory_space<hbm>> -> memref<1x10000xi32, #tpu.memory_space<hbm>>
      %dma_wait3A_116 = tpu.memref_squeeze %dma_wait3A_115 : memref<1x10000xi32, #tpu.memory_space<hbm>> -> memref<10000xi32, #tpu.memory_space<hbm>>
      tpu.wait_dma2 semaphore(%run_scoped3A_104 : memref<!tpu.dma_semaphore, #tpu.memory_space<semaphore_mem>>) src(%dma_wait3A_116 : memref<10000xi32, #tpu.memory_space<hbm>>) dst(%arg7 : memref<10000xi32, #tpu.memory_space<vmem>>)
      tpu.yield
    }) : () -> ()
    "tpu.region"() ({
      %run_scoped3A_104 = tpu.sem_alloc : memref<!tpu.dma_semaphore, #tpu.memory_space<semaphore_mem>>
      %dma_start3A_105 = arith.constant 0 : i32
      %dma_start3A_106 = tpu.memref_slice %arg4[%add3A, %dma_start3A_105] : memref<32x10000xi32, #tpu.memory_space<hbm>> -> memref<1x10000xi32, #tpu.memory_space<hbm>>
      %dma_start3A_107 = tpu.memref_squeeze %dma_start3A_106 : memref<1x10000xi32, #tpu.memory_space<hbm>> -> memref<10000xi32, #tpu.memory_space<hbm>>
      %dma_start3A_108 = arith.constant 0 : i32
      %dma_start3A_109 = tpu.memref_slice %arg4[%add3A, %dma_start3A_108] : memref<32x10000xi32, #tpu.memory_space<hbm>> -> memref<1x10000xi32, #tpu.memory_space<hbm>>
      %dma_start3A_110 = tpu.memref_squeeze %dma_start3A_109 : memref<1x10000xi32, #tpu.memory_space<hbm>> -> memref<10000xi32, #tpu.memory_space<hbm>>
      tpu.enqueue_dma source(%dma_start3A_110 : memref<10000xi32, #tpu.memory_space<hbm>>) target(%arg8 : memref<10000xi32, #tpu.memory_space<vmem>>) target_semaphore(%run_scoped3A_104 : memref<!tpu.dma_semaphore, #tpu.memory_space<semaphore_mem>>)
      %dma_wait3A_111 = arith.constant 0 : i32
      %dma_wait3A_112 = tpu.memref_slice %arg4[%add3A, %dma_wait3A_111] : memref<32x10000xi32, #tpu.memory_space<hbm>> -> memref<1x10000xi32, #tpu.memory_space<hbm>>
      %dma_wait3A_113 = tpu.memref_squeeze %dma_wait3A_112 : memref<1x10000xi32, #tpu.memory_space<hbm>> -> memref<10000xi32, #tpu.memory_space<hbm>>
      %dma_wait3A_114 = arith.constant 0 : i32
      %dma_wait3A_115 = tpu.memref_slice %arg4[%add3A, %dma_wait3A_114] : memref<32x10000xi32, #tpu.memory_space<hbm>> -> memref<1x10000xi32, #tpu.memory_space<hbm>>
      %dma_wait3A_116 = tpu.memref_squeeze %dma_wait3A_115 : memref<1x10000xi32, #tpu.memory_space<hbm>> -> memref<10000xi32, #tpu.memory_space<hbm>>
      tpu.wait_dma2 semaphore(%run_scoped3A_104 : memref<!tpu.dma_semaphore, #tpu.memory_space<semaphore_mem>>) src(%dma_wait3A_116 : memref<10000xi32, #tpu.memory_space<hbm>>) dst(%arg8 : memref<10000xi32, #tpu.memory_space<vmem>>)
      tpu.yield
    }) : () -> ()
    %barrier3A = arith.constant 0 : index
    tpu.barrier barrier_id(%barrier3A)
    %scan3A = arith.constant 0 : i32
    %scan3A_5 = arith.constant 0 : i32
    %scan3A_6 = arith.constant 41 : i32
    %scan3A_7 = arith.addi %scan3A_5, %scan3A_6 : i32
    %scan3A_8 = arith.constant 1 : i32
    scf.for %scan3A_104 = %scan3A_5 to %scan3A_7 step %scan3A_8  : i32 {
      %mul3A_105 = arith.constant 3 : i32
      %mul3A_106 = arith.muli %scan3A_104, %mul3A_105 : i32
      %add3A_107 = arith.constant 0 : i32
      %add3A_108 = arith.addi %mul3A_106, %add3A_107 : i32
      %ge3A = arith.constant 3 : i32
      %ge3A_109 = arith.cmpi sge, %add3A_108, %ge3A : i32
      %convert_element_type3A_110 = arith.extui %ge3A_109 : i1 to i32
      %cond3A_111 = arith.constant 0 : i32
      %cond3A_112 = arith.cmpi ne, %convert_element_type3A_110, %cond3A_111 : i32
      scf.if %cond3A_112 {
        %dma_wait3A_241 = arith.constant 0 : i32
        %dma_wait3A_242 = arith.constant 0 : i32
        %dma_wait3A_243 = arith.constant 0 : i32
        %dma_wait3A_244 = tpu.memref_slice %arg9[%dma_wait3A_241, %dma_wait3A_242, %dma_wait3A_243] : memref<3x80x128xf32, #tpu.memory_space<vmem>> -> memref<1x80x128xf32, #tpu.memory_space<vmem>>
        %dma_wait3A_245 = tpu.memref_squeeze %dma_wait3A_244 : memref<1x80x128xf32, #tpu.memory_space<vmem>> -> memref<80x128xf32, #tpu.memory_space<vmem>>
        %dma_wait3A_246 = arith.constant 0 : i32
        %dma_wait3A_247 = arith.constant 0 : i32
        %dma_wait3A_248 = tpu.memref_slice %arg2[%dma_wait3A_246, %dma_wait3A_247] : memref<10000x128xf32, #tpu.memory_space<hbm>> -> memref<80x128xf32, #tpu.memory_space<hbm>>
        %dma_wait3A_249 = arith.constant 0 : i32
        %dma_wait3A_250 = arith.constant 0 : i32
        %dma_wait3A_251 = tpu.memref_slice %arg9[%dma_wait3A_241, %dma_wait3A_249, %dma_wait3A_250] : memref<3x80x128xf32, #tpu.memory_space<vmem>> -> memref<1x80x128xf32, #tpu.memory_space<vmem>>
        %dma_wait3A_252 = tpu.memref_squeeze %dma_wait3A_251 : memref<1x80x128xf32, #tpu.memory_space<vmem>> -> memref<80x128xf32, #tpu.memory_space<vmem>>
        %dma_wait3A_253 = arith.constant 0 : i32
        %dma_wait3A_254 = arith.constant 0 : i32
        %dma_wait3A_255 = tpu.memref_slice %arg2[%dma_wait3A_253, %dma_wait3A_254] : memref<10000x128xf32, #tpu.memory_space<hbm>> -> memref<80x128xf32, #tpu.memory_space<hbm>>
        tpu.wait_dma2 semaphore(%arg12 : memref<!tpu.dma_semaphore, #tpu.memory_space<semaphore_mem>>) src(%dma_wait3A_255 : memref<80x128xf32, #tpu.memory_space<hbm>>) dst(%dma_wait3A_252 : memref<80x128xf32, #tpu.memory_space<vmem>>)
      } else {
      }
      %mul3A_113 = arith.constant 80 : i32
      %mul3A_114 = arith.muli %add3A_108, %mul3A_113 : i32
      %multiple_of3A = tpu.assume_multiple %mul3A_114, 8 : i32
      %dma_start3A_115 = arith.constant 0 : i32
      %dma_start3A_116 = arith.constant 0 : i32
      %dma_start3A_117 = arith.constant 0 : i32
      %dma_start3A_118 = tpu.memref_slice %arg9[%dma_start3A_115, %dma_start3A_116, %dma_start3A_117] : memref<3x80x128xf32, #tpu.memory_space<vmem>> -> memref<1x80x128xf32, #tpu.memory_space<vmem>>
      %dma_start3A_119 = tpu.memref_squeeze %dma_start3A_118 : memref<1x80x128xf32, #tpu.memory_space<vmem>> -> memref<80x128xf32, #tpu.memory_space<vmem>>
      %dma_start3A_120 = tpu.memref_slice %arg7[%multiple_of3A] : memref<10000xi32, #tpu.memory_space<vmem>> -> memref<80xi32, #tpu.memory_space<vmem>>
      %dma_start3A_121 = arith.constant 0 : i32
      %dma_start3A_122 = arith.constant 0 : i32
      %dma_start3A_123 = tpu.memref_slice %arg2[%dma_start3A_121, %dma_start3A_122] : memref<10000x128xf32, #tpu.memory_space<hbm>> -> memref<10000x128xf32, #tpu.memory_space<hbm>>
      tpu.enqueue_indirect_dma source(%dma_start3A_123 : memref<10000x128xf32, #tpu.memory_space<hbm>>) target(%dma_start3A_119 : memref<80x128xf32, #tpu.memory_space<vmem>>) offsets(%dma_start3A_120 : memref<80xi32, #tpu.memory_space<vmem>>) semaphore(%arg11 : memref<!tpu.dma_semaphore, #tpu.memory_space<semaphore_mem>>)
      %mul3A_124 = arith.constant 3 : i32
      %mul3A_125 = arith.muli %scan3A_104, %mul3A_124 : i32
      %add3A_126 = arith.constant 1 : i32
      %add3A_127 = arith.addi %mul3A_125, %add3A_126 : i32
      %ge3A_128 = arith.constant 3 : i32
      %ge3A_129 = arith.cmpi sge, %add3A_127, %ge3A_128 : i32
      %convert_element_type3A_130 = arith.extui %ge3A_129 : i1 to i32
      %cond3A_131 = arith.constant 0 : i32
      %cond3A_132 = arith.cmpi ne, %convert_element_type3A_130, %cond3A_131 : i32
      scf.if %cond3A_132 {
        %dma_wait3A_241 = arith.constant 1 : i32
        %dma_wait3A_242 = arith.constant 0 : i32
        %dma_wait3A_243 = arith.constant 0 : i32
        %dma_wait3A_244 = tpu.memref_slice %arg9[%dma_wait3A_241, %dma_wait3A_242, %dma_wait3A_243] : memref<3x80x128xf32, #tpu.memory_space<vmem>> -> memref<1x80x128xf32, #tpu.memory_space<vmem>>
        %dma_wait3A_245 = tpu.memref_squeeze %dma_wait3A_244 : memref<1x80x128xf32, #tpu.memory_space<vmem>> -> memref<80x128xf32, #tpu.memory_space<vmem>>
        %dma_wait3A_246 = arith.constant 0 : i32
        %dma_wait3A_247 = arith.constant 0 : i32
        %dma_wait3A_248 = tpu.memref_slice %arg2[%dma_wait3A_246, %dma_wait3A_247] : memref<10000x128xf32, #tpu.memory_space<hbm>> -> memref<80x128xf32, #tpu.memory_space<hbm>>
        %dma_wait3A_249 = arith.constant 0 : i32
        %dma_wait3A_250 = arith.constant 0 : i32
        %dma_wait3A_251 = tpu.memref_slice %arg9[%dma_wait3A_241, %dma_wait3A_249, %dma_wait3A_250] : memref<3x80x128xf32, #tpu.memory_space<vmem>> -> memref<1x80x128xf32, #tpu.memory_space<vmem>>
        %dma_wait3A_252 = tpu.memref_squeeze %dma_wait3A_251 : memref<1x80x128xf32, #tpu.memory_space<vmem>> -> memref<80x128xf32, #tpu.memory_space<vmem>>
        %dma_wait3A_253 = arith.constant 0 : i32
        %dma_wait3A_254 = arith.constant 0 : i32
        %dma_wait3A_255 = tpu.memref_slice %arg2[%dma_wait3A_253, %dma_wait3A_254] : memref<10000x128xf32, #tpu.memory_space<hbm>> -> memref<80x128xf32, #tpu.memory_space<hbm>>
        tpu.wait_dma2 semaphore(%arg13 : memref<!tpu.dma_semaphore, #tpu.memory_space<semaphore_mem>>) src(%dma_wait3A_255 : memref<80x128xf32, #tpu.memory_space<hbm>>) dst(%dma_wait3A_252 : memref<80x128xf32, #tpu.memory_space<vmem>>)
      } else {
      }
      %mul3A_133 = arith.constant 80 : i32
      %mul3A_134 = arith.muli %add3A_127, %mul3A_133 : i32
      %multiple_of3A_135 = tpu.assume_multiple %mul3A_134, 8 : i32
      %dma_start3A_136 = arith.constant 1 : i32
      %dma_start3A_137 = arith.constant 0 : i32
      %dma_start3A_138 = arith.constant 0 : i32
      %dma_start3A_139 = tpu.memref_slice %arg9[%dma_start3A_136, %dma_start3A_137, %dma_start3A_138] : memref<3x80x128xf32, #tpu.memory_space<vmem>> -> memref<1x80x128xf32, #tpu.memory_space<vmem>>
      %dma_start3A_140 = tpu.memref_squeeze %dma_start3A_139 : memref<1x80x128xf32, #tpu.memory_space<vmem>> -> memref<80x128xf32, #tpu.memory_space<vmem>>
      %dma_start3A_141 = tpu.memref_slice %arg7[%multiple_of3A_135] : memref<10000xi32, #tpu.memory_space<vmem>> -> memref<80xi32, #tpu.memory_space<vmem>>
      %dma_start3A_142 = arith.constant 0 : i32
      %dma_start3A_143 = arith.constant 0 : i32
      %dma_start3A_144 = tpu.memref_slice %arg2[%dma_start3A_142, %dma_start3A_143] : memref<10000x128xf32, #tpu.memory_space<hbm>> -> memref<10000x128xf32, #tpu.memory_space<hbm>>
      tpu.enqueue_indirect_dma source(%dma_start3A_144 : memref<10000x128xf32, #tpu.memory_space<hbm>>) target(%dma_start3A_140 : memref<80x128xf32, #tpu.memory_space<vmem>>) offsets(%dma_start3A_141 : memref<80xi32, #tpu.memory_space<vmem>>) semaphore(%arg11 : memref<!tpu.dma_semaphore, #tpu.memory_space<semaphore_mem>>)
      %mul3A_145 = arith.constant 3 : i32
      %mul3A_146 = arith.muli %scan3A_104, %mul3A_145 : i32
      %add3A_147 = arith.constant 2 : i32
      %add3A_148 = arith.addi %mul3A_146, %add3A_147 : i32
      %ge3A_149 = arith.constant 3 : i32
      %ge3A_150 = arith.cmpi sge, %add3A_148, %ge3A_149 : i32
      %convert_element_type3A_151 = arith.extui %ge3A_150 : i1 to i32
      %cond3A_152 = arith.constant 0 : i32
      %cond3A_153 = arith.cmpi ne, %convert_element_type3A_151, %cond3A_152 : i32
      scf.if %cond3A_153 {
        %dma_wait3A_241 = arith.constant 2 : i32
        %dma_wait3A_242 = arith.constant 0 : i32
        %dma_wait3A_243 = arith.constant 0 : i32
        %dma_wait3A_244 = tpu.memref_slice %arg9[%dma_wait3A_241, %dma_wait3A_242, %dma_wait3A_243] : memref<3x80x128xf32, #tpu.memory_space<vmem>> -> memref<1x80x128xf32, #tpu.memory_space<vmem>>
        %dma_wait3A_245 = tpu.memref_squeeze %dma_wait3A_244 : memref<1x80x128xf32, #tpu.memory_space<vmem>> -> memref<80x128xf32, #tpu.memory_space<vmem>>
        %dma_wait3A_246 = arith.constant 0 : i32
        %dma_wait3A_247 = arith.constant 0 : i32
        %dma_wait3A_248 = tpu.memref_slice %arg2[%dma_wait3A_246, %dma_wait3A_247] : memref<10000x128xf32, #tpu.memory_space<hbm>> -> memref<80x128xf32, #tpu.memory_space<hbm>>
        %dma_wait3A_249 = arith.constant 0 : i32
        %dma_wait3A_250 = arith.constant 0 : i32
        %dma_wait3A_251 = tpu.memref_slice %arg9[%dma_wait3A_241, %dma_wait3A_249, %dma_wait3A_250] : memref<3x80x128xf32, #tpu.memory_space<vmem>> -> memref<1x80x128xf32, #tpu.memory_space<vmem>>
        %dma_wait3A_252 = tpu.memref_squeeze %dma_wait3A_251 : memref<1x80x128xf32, #tpu.memory_space<vmem>> -> memref<80x128xf32, #tpu.memory_space<vmem>>
        %dma_wait3A_253 = arith.constant 0 : i32
        %dma_wait3A_254 = arith.constant 0 : i32
        %dma_wait3A_255 = tpu.memref_slice %arg2[%dma_wait3A_253, %dma_wait3A_254] : memref<10000x128xf32, #tpu.memory_space<hbm>> -> memref<80x128xf32, #tpu.memory_space<hbm>>
        tpu.wait_dma2 semaphore(%arg14 : memref<!tpu.dma_semaphore, #tpu.memory_space<semaphore_mem>>) src(%dma_wait3A_255 : memref<80x128xf32, #tpu.memory_space<hbm>>) dst(%dma_wait3A_252 : memref<80x128xf32, #tpu.memory_space<vmem>>)
      } else {
      }
      %mul3A_154 = arith.constant 80 : i32
      %mul3A_155 = arith.muli %add3A_148, %mul3A_154 : i32
      %multiple_of3A_156 = tpu.assume_multiple %mul3A_155, 8 : i32
      %dma_start3A_157 = arith.constant 2 : i32
      %dma_start3A_158 = arith.constant 0 : i32
      %dma_start3A_159 = arith.constant 0 : i32
      %dma_start3A_160 = tpu.memref_slice %arg9[%dma_start3A_157, %dma_start3A_158, %dma_start3A_159] : memref<3x80x128xf32, #tpu.memory_space<vmem>> -> memref<1x80x128xf32, #tpu.memory_space<vmem>>
      %dma_start3A_161 = tpu.memref_squeeze %dma_start3A_160 : memref<1x80x128xf32, #tpu.memory_space<vmem>> -> memref<80x128xf32, #tpu.memory_space<vmem>>
      %dma_start3A_162 = tpu.memref_slice %arg7[%multiple_of3A_156] : memref<10000xi32, #tpu.memory_space<vmem>> -> memref<80xi32, #tpu.memory_space<vmem>>
      %dma_start3A_163 = arith.constant 0 : i32
      %dma_start3A_164 = arith.constant 0 : i32
      %dma_start3A_165 = tpu.memref_slice %arg2[%dma_start3A_163, %dma_start3A_164] : memref<10000x128xf32, #tpu.memory_space<hbm>> -> memref<10000x128xf32, #tpu.memory_space<hbm>>
      tpu.enqueue_indirect_dma source(%dma_start3A_165 : memref<10000x128xf32, #tpu.memory_space<hbm>>) target(%dma_start3A_161 : memref<80x128xf32, #tpu.memory_space<vmem>>) offsets(%dma_start3A_162 : memref<80xi32, #tpu.memory_space<vmem>>) semaphore(%arg11 : memref<!tpu.dma_semaphore, #tpu.memory_space<semaphore_mem>>)
      %mul3A_166 = arith.constant 3 : i32
      %mul3A_167 = arith.muli %scan3A_104, %mul3A_166 : i32
      %add3A_168 = arith.constant 0 : i32
      %add3A_169 = arith.addi %mul3A_167, %add3A_168 : i32
      %mul3A_170 = arith.constant 80 : i32
      %mul3A_171 = arith.muli %add3A_169, %mul3A_170 : i32
      %multiple_of3A_172 = tpu.assume_multiple %mul3A_171, 8 : i32
      %dma_wait3A_173 = arith.constant 0 : i32
      %dma_wait3A_174 = arith.constant 0 : i32
      %dma_wait3A_175 = arith.constant 0 : i32
      %dma_wait3A_176 = tpu.memref_slice %arg9[%dma_wait3A_173, %dma_wait3A_174, %dma_wait3A_175] : memref<3x80x128xf32, #tpu.memory_space<vmem>> -> memref<1x80x128xf32, #tpu.memory_space<vmem>>
      %dma_wait3A_177 = tpu.memref_squeeze %dma_wait3A_176 : memref<1x80x128xf32, #tpu.memory_space<vmem>> -> memref<80x128xf32, #tpu.memory_space<vmem>>
      %dma_wait3A_178 = tpu.memref_slice %arg7[%multiple_of3A] : memref<10000xi32, #tpu.memory_space<vmem>> -> memref<80xi32, #tpu.memory_space<vmem>>
      %dma_wait3A_179 = arith.constant 0 : i32
      %dma_wait3A_180 = arith.constant 0 : i32
      %dma_wait3A_181 = tpu.memref_slice %arg2[%dma_wait3A_179, %dma_wait3A_180] : memref<10000x128xf32, #tpu.memory_space<hbm>> -> memref<10000x128xf32, #tpu.memory_space<hbm>>
      tpu.wait_indirect_dma semaphore(%arg11 : memref<!tpu.dma_semaphore, #tpu.memory_space<semaphore_mem>>) src(%dma_wait3A_181 : memref<10000x128xf32, #tpu.memory_space<hbm>>) dst(%dma_wait3A_177 : memref<80x128xf32, #tpu.memory_space<vmem>>)
      %dma_start3A_182 = arith.constant 0 : i32
      %dma_start3A_183 = arith.constant 0 : i32
      %dma_start3A_184 = arith.constant 0 : i32
      %dma_start3A_185 = tpu.memref_slice %arg9[%dma_start3A_182, %dma_start3A_183, %dma_start3A_184] : memref<3x80x128xf32, #tpu.memory_space<vmem>> -> memref<1x80x128xf32, #tpu.memory_space<vmem>>
      %dma_start3A_186 = tpu.memref_squeeze %dma_start3A_185 : memref<1x80x128xf32, #tpu.memory_space<vmem>> -> memref<80x128xf32, #tpu.memory_space<vmem>>
      %dma_start3A_187 = tpu.memref_slice %arg8[%multiple_of3A_172] : memref<10000xi32, #tpu.memory_space<vmem>> -> memref<80xi32, #tpu.memory_space<vmem>>
      %dma_start3A_188 = arith.constant 0 : i32
      %dma_start3A_189 = arith.constant 0 : i32
      %dma_start3A_190 = tpu.memref_slice %arg10[%dma_start3A_188, %dma_start3A_189] : memref<10000x128xf32, #tpu.memory_space<vmem_shared>> -> memref<10000x128xf32, #tpu.memory_space<vmem_shared>>
      tpu.enqueue_indirect_dma source(%dma_start3A_186 : memref<80x128xf32, #tpu.memory_space<vmem>>) target(%dma_start3A_190 : memref<10000x128xf32, #tpu.memory_space<vmem_shared>>) offsets(%dma_start3A_187 : memref<80xi32, #tpu.memory_space<vmem>>) semaphore(%arg12 : memref<!tpu.dma_semaphore, #tpu.memory_space<semaphore_mem>>) {add = true}
      %mul3A_191 = arith.constant 3 : i32
      %mul3A_192 = arith.muli %scan3A_104, %mul3A_191 : i32
      %add3A_193 = arith.constant 1 : i32
      %add3A_194 = arith.addi %mul3A_192, %add3A_193 : i32
      %mul3A_195 = arith.constant 80 : i32
      %mul3A_196 = arith.muli %add3A_194, %mul3A_195 : i32
      %multiple_of3A_197 = tpu.assume_multiple %mul3A_196, 8 : i32
      %dma_wait3A_198 = arith.constant 1 : i32
      %dma_wait3A_199 = arith.constant 0 : i32
      %dma_wait3A_200 = arith.constant 0 : i32
      %dma_wait3A_201 = tpu.memref_slice %arg9[%dma_wait3A_198, %dma_wait3A_199, %dma_wait3A_200] : memref<3x80x128xf32, #tpu.memory_space<vmem>> -> memref<1x80x128xf32, #tpu.memory_space<vmem>>
      %dma_wait3A_202 = tpu.memref_squeeze %dma_wait3A_201 : memref<1x80x128xf32, #tpu.memory_space<vmem>> -> memref<80x128xf32, #tpu.memory_space<vmem>>
      %dma_wait3A_203 = tpu.memref_slice %arg7[%multiple_of3A_135] : memref<10000xi32, #tpu.memory_space<vmem>> -> memref<80xi32, #tpu.memory_space<vmem>>
      %dma_wait3A_204 = arith.constant 0 : i32
      %dma_wait3A_205 = arith.constant 0 : i32
      %dma_wait3A_206 = tpu.memref_slice %arg2[%dma_wait3A_204, %dma_wait3A_205] : memref<10000x128xf32, #tpu.memory_space<hbm>> -> memref<10000x128xf32, #tpu.memory_space<hbm>>
      tpu.wait_indirect_dma semaphore(%arg11 : memref<!tpu.dma_semaphore, #tpu.memory_space<semaphore_mem>>) src(%dma_wait3A_206 : memref<10000x128xf32, #tpu.memory_space<hbm>>) dst(%dma_wait3A_202 : memref<80x128xf32, #tpu.memory_space<vmem>>)
      %dma_start3A_207 = arith.constant 1 : i32
      %dma_start3A_208 = arith.constant 0 : i32
      %dma_start3A_209 = arith.constant 0 : i32
      %dma_start3A_210 = tpu.memref_slice %arg9[%dma_start3A_207, %dma_start3A_208, %dma_start3A_209] : memref<3x80x128xf32, #tpu.memory_space<vmem>> -> memref<1x80x128xf32, #tpu.memory_space<vmem>>
      %dma_start3A_211 = tpu.memref_squeeze %dma_start3A_210 : memref<1x80x128xf32, #tpu.memory_space<vmem>> -> memref<80x128xf32, #tpu.memory_space<vmem>>
      %dma_start3A_212 = tpu.memref_slice %arg8[%multiple_of3A_197] : memref<10000xi32, #tpu.memory_space<vmem>> -> memref<80xi32, #tpu.memory_space<vmem>>
      %dma_start3A_213 = arith.constant 0 : i32
      %dma_start3A_214 = arith.constant 0 : i32
      %dma_start3A_215 = tpu.memref_slice %arg10[%dma_start3A_213, %dma_start3A_214] : memref<10000x128xf32, #tpu.memory_space<vmem_shared>> -> memref<10000x128xf32, #tpu.memory_space<vmem_shared>>
      tpu.enqueue_indirect_dma source(%dma_start3A_211 : memref<80x128xf32, #tpu.memory_space<vmem>>) target(%dma_start3A_215 : memref<10000x128xf32, #tpu.memory_space<vmem_shared>>) offsets(%dma_start3A_212 : memref<80xi32, #tpu.memory_space<vmem>>) semaphore(%arg13 : memref<!tpu.dma_semaphore, #tpu.memory_space<semaphore_mem>>) {add = true}
      %mul3A_216 = arith.constant 3 : i32
      %mul3A_217 = arith.muli %scan3A_104, %mul3A_216 : i32
      %add3A_218 = arith.constant 2 : i32
      %add3A_219 = arith.addi %mul3A_217, %add3A_218 : i32
      %mul3A_220 = arith.constant 80 : i32
      %mul3A_221 = arith.muli %add3A_219, %mul3A_220 : i32
      %multiple_of3A_222 = tpu.assume_multiple %mul3A_221, 8 : i32
      %dma_wait3A_223 = arith.constant 2 : i32
      %dma_wait3A_224 = arith.constant 0 : i32
      %dma_wait3A_225 = arith.constant 0 : i32
      %dma_wait3A_226 = tpu.memref_slice %arg9[%dma_wait3A_223, %dma_wait3A_224, %dma_wait3A_225] : memref<3x80x128xf32, #tpu.memory_space<vmem>> -> memref<1x80x128xf32, #tpu.memory_space<vmem>>
      %dma_wait3A_227 = tpu.memref_squeeze %dma_wait3A_226 : memref<1x80x128xf32, #tpu.memory_space<vmem>> -> memref<80x128xf32, #tpu.memory_space<vmem>>
      %dma_wait3A_228 = tpu.memref_slice %arg7[%multiple_of3A_156] : memref<10000xi32, #tpu.memory_space<vmem>> -> memref<80xi32, #tpu.memory_space<vmem>>
      %dma_wait3A_229 = arith.constant 0 : i32
      %dma_wait3A_230 = arith.constant 0 : i32
      %dma_wait3A_231 = tpu.memref_slice %arg2[%dma_wait3A_229, %dma_wait3A_230] : memref<10000x128xf32, #tpu.memory_space<hbm>> -> memref<10000x128xf32, #tpu.memory_space<hbm>>
      tpu.wait_indirect_dma semaphore(%arg11 : memref<!tpu.dma_semaphore, #tpu.memory_space<semaphore_mem>>) src(%dma_wait3A_231 : memref<10000x128xf32, #tpu.memory_space<hbm>>) dst(%dma_wait3A_227 : memref<80x128xf32, #tpu.memory_space<vmem>>)
      %dma_start3A_232 = arith.constant 2 : i32
      %dma_start3A_233 = arith.constant 0 : i32
      %dma_start3A_234 = arith.constant 0 : i32
      %dma_start3A_235 = tpu.memref_slice %arg9[%dma_start3A_232, %dma_start3A_233, %dma_start3A_234] : memref<3x80x128xf32, #tpu.memory_space<vmem>> -> memref<1x80x128xf32, #tpu.memory_space<vmem>>
      %dma_start3A_236 = tpu.memref_squeeze %dma_start3A_235 : memref<1x80x128xf32, #tpu.memory_space<vmem>> -> memref<80x128xf32, #tpu.memory_space<vmem>>
      %dma_start3A_237 = tpu.memref_slice %arg8[%multiple_of3A_222] : memref<10000xi32, #tpu.memory_space<vmem>> -> memref<80xi32, #tpu.memory_space<vmem>>
      %dma_start3A_238 = arith.constant 0 : i32
      %dma_start3A_239 = arith.constant 0 : i32
      %dma_start3A_240 = tpu.memref_slice %arg10[%dma_start3A_238, %dma_start3A_239] : memref<10000x128xf32, #tpu.memory_space<vmem_shared>> -> memref<10000x128xf32, #tpu.memory_space<vmem_shared>>
      tpu.enqueue_indirect_dma source(%dma_start3A_236 : memref<80x128xf32, #tpu.memory_space<vmem>>) target(%dma_start3A_240 : memref<10000x128xf32, #tpu.memory_space<vmem_shared>>) offsets(%dma_start3A_237 : memref<80xi32, #tpu.memory_space<vmem>>) semaphore(%arg14 : memref<!tpu.dma_semaphore, #tpu.memory_space<semaphore_mem>>) {add = true}
    }
    %scan3A_9 = arith.constant 41 : i32
    %dma_wait3A = arith.constant 0 : i32
    %dma_wait3A_10 = arith.constant 0 : i32
    %dma_wait3A_11 = arith.constant 0 : i32
    %dma_wait3A_12 = tpu.memref_slice %arg9[%dma_wait3A, %dma_wait3A_10, %dma_wait3A_11] : memref<3x80x128xf32, #tpu.memory_space<vmem>> -> memref<1x80x128xf32, #tpu.memory_space<vmem>>
    %dma_wait3A_13 = tpu.memref_squeeze %dma_wait3A_12 : memref<1x80x128xf32, #tpu.memory_space<vmem>> -> memref<80x128xf32, #tpu.memory_space<vmem>>
    %dma_wait3A_14 = arith.constant 0 : i32
    %dma_wait3A_15 = arith.constant 0 : i32
    %dma_wait3A_16 = tpu.memref_slice %arg2[%dma_wait3A_14, %dma_wait3A_15] : memref<10000x128xf32, #tpu.memory_space<hbm>> -> memref<80x128xf32, #tpu.memory_space<hbm>>
    %dma_wait3A_17 = arith.constant 0 : i32
    %dma_wait3A_18 = arith.constant 0 : i32
    %dma_wait3A_19 = tpu.memref_slice %arg9[%dma_wait3A, %dma_wait3A_17, %dma_wait3A_18] : memref<3x80x128xf32, #tpu.memory_space<vmem>> -> memref<1x80x128xf32, #tpu.memory_space<vmem>>
    %dma_wait3A_20 = tpu.memref_squeeze %dma_wait3A_19 : memref<1x80x128xf32, #tpu.memory_space<vmem>> -> memref<80x128xf32, #tpu.memory_space<vmem>>
    %dma_wait3A_21 = arith.constant 0 : i32
    %dma_wait3A_22 = arith.constant 0 : i32
    %dma_wait3A_23 = tpu.memref_slice %arg2[%dma_wait3A_21, %dma_wait3A_22] : memref<10000x128xf32, #tpu.memory_space<hbm>> -> memref<80x128xf32, #tpu.memory_space<hbm>>
    tpu.wait_dma2 semaphore(%arg12 : memref<!tpu.dma_semaphore, #tpu.memory_space<semaphore_mem>>) src(%dma_wait3A_23 : memref<80x128xf32, #tpu.memory_space<hbm>>) dst(%dma_wait3A_20 : memref<80x128xf32, #tpu.memory_space<vmem>>)
    %dma_start3A = arith.constant 0 : i32
    %dma_start3A_24 = arith.constant 0 : i32
    %dma_start3A_25 = arith.constant 0 : i32
    %dma_start3A_26 = tpu.memref_slice %arg9[%dma_start3A, %dma_start3A_24, %dma_start3A_25] : memref<3x80x128xf32, #tpu.memory_space<vmem>> -> memref<1x80x128xf32, #tpu.memory_space<vmem>>
    %dma_start3A_27 = tpu.memref_squeeze %dma_start3A_26 : memref<1x80x128xf32, #tpu.memory_space<vmem>> -> memref<80x128xf32, #tpu.memory_space<vmem>>
    %dma_start3A_28 = arith.constant 9840 : i32
    %dma_start3A_29 = tpu.memref_slice %arg7[%dma_start3A_28] : memref<10000xi32, #tpu.memory_space<vmem>> -> memref<80xi32, #tpu.memory_space<vmem>>
    %dma_start3A_30 = arith.constant 0 : i32
    %dma_start3A_31 = arith.constant 0 : i32
    %dma_start3A_32 = tpu.memref_slice %arg2[%dma_start3A_30, %dma_start3A_31] : memref<10000x128xf32, #tpu.memory_space<hbm>> -> memref<10000x128xf32, #tpu.memory_space<hbm>>
    tpu.enqueue_indirect_dma source(%dma_start3A_32 : memref<10000x128xf32, #tpu.memory_space<hbm>>) target(%dma_start3A_27 : memref<80x128xf32, #tpu.memory_space<vmem>>) offsets(%dma_start3A_29 : memref<80xi32, #tpu.memory_space<vmem>>) semaphore(%arg11 : memref<!tpu.dma_semaphore, #tpu.memory_space<semaphore_mem>>)
    %dma_wait3A_33 = arith.constant 0 : i32
    %dma_wait3A_34 = arith.constant 0 : i32
    %dma_wait3A_35 = arith.constant 0 : i32
    %dma_wait3A_36 = tpu.memref_slice %arg9[%dma_wait3A_33, %dma_wait3A_34, %dma_wait3A_35] : memref<3x80x128xf32, #tpu.memory_space<vmem>> -> memref<1x80x128xf32, #tpu.memory_space<vmem>>
    %dma_wait3A_37 = tpu.memref_squeeze %dma_wait3A_36 : memref<1x80x128xf32, #tpu.memory_space<vmem>> -> memref<80x128xf32, #tpu.memory_space<vmem>>
    %dma_wait3A_38 = arith.constant 9840 : i32
    %dma_wait3A_39 = tpu.memref_slice %arg7[%dma_wait3A_38] : memref<10000xi32, #tpu.memory_space<vmem>> -> memref<80xi32, #tpu.memory_space<vmem>>
    %dma_wait3A_40 = arith.constant 0 : i32
    %dma_wait3A_41 = arith.constant 0 : i32
    %dma_wait3A_42 = tpu.memref_slice %arg2[%dma_wait3A_40, %dma_wait3A_41] : memref<10000x128xf32, #tpu.memory_space<hbm>> -> memref<10000x128xf32, #tpu.memory_space<hbm>>
    tpu.wait_indirect_dma semaphore(%arg11 : memref<!tpu.dma_semaphore, #tpu.memory_space<semaphore_mem>>) src(%dma_wait3A_42 : memref<10000x128xf32, #tpu.memory_space<hbm>>) dst(%dma_wait3A_37 : memref<80x128xf32, #tpu.memory_space<vmem>>)
    %run_scoped3A = arith.constant 0 : i32
    "tpu.region"() ({
      %run_scoped3A_104 = tpu.sem_alloc : memref<!tpu.dma_semaphore, #tpu.memory_space<semaphore_mem>>
      %dma_start3A_105 = arith.constant 0 : i32
      %dma_start3A_106 = arith.constant 0 : i32
      %dma_start3A_107 = tpu.memref_slice %arg9[%run_scoped3A, %dma_start3A_105, %dma_start3A_106] : memref<3x80x128xf32, #tpu.memory_space<vmem>> -> memref<1x80x128xf32, #tpu.memory_space<vmem>>
      %dma_start3A_108 = tpu.memref_squeeze %dma_start3A_107 : memref<1x80x128xf32, #tpu.memory_space<vmem>> -> memref<80x128xf32, #tpu.memory_space<vmem>>
      %dma_start3A_109 = arith.constant 9840 : i32
      %dma_start3A_110 = tpu.memref_slice %arg8[%dma_start3A_109] : memref<10000xi32, #tpu.memory_space<vmem>> -> memref<80xi32, #tpu.memory_space<vmem>>
      %dma_start3A_111 = arith.constant 0 : i32
      %dma_start3A_112 = arith.constant 0 : i32
      %dma_start3A_113 = tpu.memref_slice %arg10[%dma_start3A_111, %dma_start3A_112] : memref<10000x128xf32, #tpu.memory_space<vmem_shared>> -> memref<10000x128xf32, #tpu.memory_space<vmem_shared>>
      tpu.enqueue_indirect_dma source(%dma_start3A_108 : memref<80x128xf32, #tpu.memory_space<vmem>>) target(%dma_start3A_113 : memref<10000x128xf32, #tpu.memory_space<vmem_shared>>) offsets(%dma_start3A_110 : memref<80xi32, #tpu.memory_space<vmem>>) semaphore(%run_scoped3A_104 : memref<!tpu.dma_semaphore, #tpu.memory_space<semaphore_mem>>) {add = true}
      %dma_wait3A_114 = arith.constant 0 : i32
      %dma_wait3A_115 = arith.constant 0 : i32
      %dma_wait3A_116 = tpu.memref_slice %arg9[%run_scoped3A, %dma_wait3A_114, %dma_wait3A_115] : memref<3x80x128xf32, #tpu.memory_space<vmem>> -> memref<1x80x128xf32, #tpu.memory_space<vmem>>
      %dma_wait3A_117 = tpu.memref_squeeze %dma_wait3A_116 : memref<1x80x128xf32, #tpu.memory_space<vmem>> -> memref<80x128xf32, #tpu.memory_space<vmem>>
      %dma_wait3A_118 = arith.constant 9840 : i32
      %dma_wait3A_119 = tpu.memref_slice %arg8[%dma_wait3A_118] : memref<10000xi32, #tpu.memory_space<vmem>> -> memref<80xi32, #tpu.memory_space<vmem>>
      %dma_wait3A_120 = arith.constant 0 : i32
      %dma_wait3A_121 = arith.constant 0 : i32
      %dma_wait3A_122 = tpu.memref_slice %arg10[%dma_wait3A_120, %dma_wait3A_121] : memref<10000x128xf32, #tpu.memory_space<vmem_shared>> -> memref<10000x128xf32, #tpu.memory_space<vmem_shared>>
      tpu.wait_indirect_dma semaphore(%run_scoped3A_104 : memref<!tpu.dma_semaphore, #tpu.memory_space<semaphore_mem>>) src(%dma_wait3A_117 : memref<80x128xf32, #tpu.memory_space<vmem>>) dst(%dma_wait3A_122 : memref<10000x128xf32, #tpu.memory_space<vmem_shared>>)
      tpu.yield
    }) : () -> ()
    %dma_wait3A_43 = arith.constant 1 : i32
    %dma_wait3A_44 = arith.constant 0 : i32
    %dma_wait3A_45 = arith.constant 0 : i32
    %dma_wait3A_46 = tpu.memref_slice %arg9[%dma_wait3A_43, %dma_wait3A_44, %dma_wait3A_45] : memref<3x80x128xf32, #tpu.memory_space<vmem>> -> memref<1x80x128xf32, #tpu.memory_space<vmem>>
    %dma_wait3A_47 = tpu.memref_squeeze %dma_wait3A_46 : memref<1x80x128xf32, #tpu.memory_space<vmem>> -> memref<80x128xf32, #tpu.memory_space<vmem>>
    %dma_wait3A_48 = arith.constant 0 : i32
    %dma_wait3A_49 = arith.constant 0 : i32
    %dma_wait3A_50 = tpu.memref_slice %arg2[%dma_wait3A_48, %dma_wait3A_49] : memref<10000x128xf32, #tpu.memory_space<hbm>> -> memref<80x128xf32, #tpu.memory_space<hbm>>
    %dma_wait3A_51 = arith.constant 0 : i32
    %dma_wait3A_52 = arith.constant 0 : i32
    %dma_wait3A_53 = tpu.memref_slice %arg9[%dma_wait3A_43, %dma_wait3A_51, %dma_wait3A_52] : memref<3x80x128xf32, #tpu.memory_space<vmem>> -> memref<1x80x128xf32, #tpu.memory_space<vmem>>
    %dma_wait3A_54 = tpu.memref_squeeze %dma_wait3A_53 : memref<1x80x128xf32, #tpu.memory_space<vmem>> -> memref<80x128xf32, #tpu.memory_space<vmem>>
    %dma_wait3A_55 = arith.constant 0 : i32
    %dma_wait3A_56 = arith.constant 0 : i32
    %dma_wait3A_57 = tpu.memref_slice %arg2[%dma_wait3A_55, %dma_wait3A_56] : memref<10000x128xf32, #tpu.memory_space<hbm>> -> memref<80x128xf32, #tpu.memory_space<hbm>>
    tpu.wait_dma2 semaphore(%arg13 : memref<!tpu.dma_semaphore, #tpu.memory_space<semaphore_mem>>) src(%dma_wait3A_57 : memref<80x128xf32, #tpu.memory_space<hbm>>) dst(%dma_wait3A_54 : memref<80x128xf32, #tpu.memory_space<vmem>>)
    %dma_start3A_58 = arith.constant 1 : i32
    %dma_start3A_59 = arith.constant 0 : i32
    %dma_start3A_60 = arith.constant 0 : i32
    %dma_start3A_61 = tpu.memref_slice %arg9[%dma_start3A_58, %dma_start3A_59, %dma_start3A_60] : memref<3x80x128xf32, #tpu.memory_space<vmem>> -> memref<1x80x128xf32, #tpu.memory_space<vmem>>
    %dma_start3A_62 = tpu.memref_squeeze %dma_start3A_61 : memref<1x80x128xf32, #tpu.memory_space<vmem>> -> memref<80x128xf32, #tpu.memory_space<vmem>>
    %dma_start3A_63 = arith.constant 9920 : i32
    %dma_start3A_64 = tpu.memref_slice %arg7[%dma_start3A_63] : memref<10000xi32, #tpu.memory_space<vmem>> -> memref<80xi32, #tpu.memory_space<vmem>>
    %dma_start3A_65 = arith.constant 0 : i32
    %dma_start3A_66 = arith.constant 0 : i32
    %dma_start3A_67 = tpu.memref_slice %arg2[%dma_start3A_65, %dma_start3A_66] : memref<10000x128xf32, #tpu.memory_space<hbm>> -> memref<10000x128xf32, #tpu.memory_space<hbm>>
    tpu.enqueue_indirect_dma source(%dma_start3A_67 : memref<10000x128xf32, #tpu.memory_space<hbm>>) target(%dma_start3A_62 : memref<80x128xf32, #tpu.memory_space<vmem>>) offsets(%dma_start3A_64 : memref<80xi32, #tpu.memory_space<vmem>>) semaphore(%arg11 : memref<!tpu.dma_semaphore, #tpu.memory_space<semaphore_mem>>)
    %dma_wait3A_68 = arith.constant 1 : i32
    %dma_wait3A_69 = arith.constant 0 : i32
    %dma_wait3A_70 = arith.constant 0 : i32
    %dma_wait3A_71 = tpu.memref_slice %arg9[%dma_wait3A_68, %dma_wait3A_69, %dma_wait3A_70] : memref<3x80x128xf32, #tpu.memory_space<vmem>> -> memref<1x80x128xf32, #tpu.memory_space<vmem>>
    %dma_wait3A_72 = tpu.memref_squeeze %dma_wait3A_71 : memref<1x80x128xf32, #tpu.memory_space<vmem>> -> memref<80x128xf32, #tpu.memory_space<vmem>>
    %dma_wait3A_73 = arith.constant 9920 : i32
    %dma_wait3A_74 = tpu.memref_slice %arg7[%dma_wait3A_73] : memref<10000xi32, #tpu.memory_space<vmem>> -> memref<80xi32, #tpu.memory_space<vmem>>
    %dma_wait3A_75 = arith.constant 0 : i32
    %dma_wait3A_76 = arith.constant 0 : i32
    %dma_wait3A_77 = tpu.memref_slice %arg2[%dma_wait3A_75, %dma_wait3A_76] : memref<10000x128xf32, #tpu.memory_space<hbm>> -> memref<10000x128xf32, #tpu.memory_space<hbm>>
    tpu.wait_indirect_dma semaphore(%arg11 : memref<!tpu.dma_semaphore, #tpu.memory_space<semaphore_mem>>) src(%dma_wait3A_77 : memref<10000x128xf32, #tpu.memory_space<hbm>>) dst(%dma_wait3A_72 : memref<80x128xf32, #tpu.memory_space<vmem>>)
    %run_scoped3A_78 = arith.constant 1 : i32
    "tpu.region"() ({
      %run_scoped3A_104 = tpu.sem_alloc : memref<!tpu.dma_semaphore, #tpu.memory_space<semaphore_mem>>
      %dma_start3A_105 = arith.constant 0 : i32
      %dma_start3A_106 = arith.constant 0 : i32
      %dma_start3A_107 = tpu.memref_slice %arg9[%run_scoped3A_78, %dma_start3A_105, %dma_start3A_106] : memref<3x80x128xf32, #tpu.memory_space<vmem>> -> memref<1x80x128xf32, #tpu.memory_space<vmem>>
      %dma_start3A_108 = tpu.memref_squeeze %dma_start3A_107 : memref<1x80x128xf32, #tpu.memory_space<vmem>> -> memref<80x128xf32, #tpu.memory_space<vmem>>
      %dma_start3A_109 = arith.constant 9920 : i32
      %dma_start3A_110 = tpu.memref_slice %arg8[%dma_start3A_109] : memref<10000xi32, #tpu.memory_space<vmem>> -> memref<80xi32, #tpu.memory_space<vmem>>
      %dma_start3A_111 = arith.constant 0 : i32
      %dma_start3A_112 = arith.constant 0 : i32
      %dma_start3A_113 = tpu.memref_slice %arg10[%dma_start3A_111, %dma_start3A_112] : memref<10000x128xf32, #tpu.memory_space<vmem_shared>> -> memref<10000x128xf32, #tpu.memory_space<vmem_shared>>
      tpu.enqueue_indirect_dma source(%dma_start3A_108 : memref<80x128xf32, #tpu.memory_space<vmem>>) target(%dma_start3A_113 : memref<10000x128xf32, #tpu.memory_space<vmem_shared>>) offsets(%dma_start3A_110 : memref<80xi32, #tpu.memory_space<vmem>>) semaphore(%run_scoped3A_104 : memref<!tpu.dma_semaphore, #tpu.memory_space<semaphore_mem>>) {add = true}
      %dma_wait3A_114 = arith.constant 0 : i32
      %dma_wait3A_115 = arith.constant 0 : i32
      %dma_wait3A_116 = tpu.memref_slice %arg9[%run_scoped3A_78, %dma_wait3A_114, %dma_wait3A_115] : memref<3x80x128xf32, #tpu.memory_space<vmem>> -> memref<1x80x128xf32, #tpu.memory_space<vmem>>
      %dma_wait3A_117 = tpu.memref_squeeze %dma_wait3A_116 : memref<1x80x128xf32, #tpu.memory_space<vmem>> -> memref<80x128xf32, #tpu.memory_space<vmem>>
      %dma_wait3A_118 = arith.constant 9920 : i32
      %dma_wait3A_119 = tpu.memref_slice %arg8[%dma_wait3A_118] : memref<10000xi32, #tpu.memory_space<vmem>> -> memref<80xi32, #tpu.memory_space<vmem>>
      %dma_wait3A_120 = arith.constant 0 : i32
      %dma_wait3A_121 = arith.constant 0 : i32
      %dma_wait3A_122 = tpu.memref_slice %arg10[%dma_wait3A_120, %dma_wait3A_121] : memref<10000x128xf32, #tpu.memory_space<vmem_shared>> -> memref<10000x128xf32, #tpu.memory_space<vmem_shared>>
      tpu.wait_indirect_dma semaphore(%run_scoped3A_104 : memref<!tpu.dma_semaphore, #tpu.memory_space<semaphore_mem>>) src(%dma_wait3A_117 : memref<80x128xf32, #tpu.memory_space<vmem>>) dst(%dma_wait3A_122 : memref<10000x128xf32, #tpu.memory_space<vmem_shared>>)
      tpu.yield
    }) : () -> ()
    %dma_wait3A_79 = arith.constant 2 : i32
    %dma_wait3A_80 = arith.constant 0 : i32
    %dma_wait3A_81 = arith.constant 0 : i32
    %dma_wait3A_82 = tpu.memref_slice %arg9[%dma_wait3A_79, %dma_wait3A_80, %dma_wait3A_81] : memref<3x80x128xf32, #tpu.memory_space<vmem>> -> memref<1x80x128xf32, #tpu.memory_space<vmem>>
    %dma_wait3A_83 = tpu.memref_squeeze %dma_wait3A_82 : memref<1x80x128xf32, #tpu.memory_space<vmem>> -> memref<80x128xf32, #tpu.memory_space<vmem>>
    %dma_wait3A_84 = arith.constant 0 : i32
    %dma_wait3A_85 = arith.constant 0 : i32
    %dma_wait3A_86 = tpu.memref_slice %arg2[%dma_wait3A_84, %dma_wait3A_85] : memref<10000x128xf32, #tpu.memory_space<hbm>> -> memref<80x128xf32, #tpu.memory_space<hbm>>
    %dma_wait3A_87 = arith.constant 0 : i32
    %dma_wait3A_88 = arith.constant 0 : i32
    %dma_wait3A_89 = tpu.memref_slice %arg9[%dma_wait3A_79, %dma_wait3A_87, %dma_wait3A_88] : memref<3x80x128xf32, #tpu.memory_space<vmem>> -> memref<1x80x128xf32, #tpu.memory_space<vmem>>
    %dma_wait3A_90 = tpu.memref_squeeze %dma_wait3A_89 : memref<1x80x128xf32, #tpu.memory_space<vmem>> -> memref<80x128xf32, #tpu.memory_space<vmem>>
    %dma_wait3A_91 = arith.constant 0 : i32
    %dma_wait3A_92 = arith.constant 0 : i32
    %dma_wait3A_93 = tpu.memref_slice %arg2[%dma_wait3A_91, %dma_wait3A_92] : memref<10000x128xf32, #tpu.memory_space<hbm>> -> memref<80x128xf32, #tpu.memory_space<hbm>>
    tpu.wait_dma2 semaphore(%arg14 : memref<!tpu.dma_semaphore, #tpu.memory_space<semaphore_mem>>) src(%dma_wait3A_93 : memref<80x128xf32, #tpu.memory_space<hbm>>) dst(%dma_wait3A_90 : memref<80x128xf32, #tpu.memory_space<vmem>>)
    %barrier3A_94 = arith.constant 0 : index
    tpu.barrier barrier_id(%barrier3A_94)
    %mul3A_95 = arith.constant 624 : i32
    %mul3A_96 = arith.muli %arg1, %mul3A_95 : i32
    %mul3A_97 = arith.constant 624 : i32
    %mul3A_98 = arith.muli %arg1, %mul3A_97 : i32
    "tpu.region"() ({
      %run_scoped3A_104 = tpu.sem_alloc : memref<!tpu.dma_semaphore, #tpu.memory_space<semaphore_mem>>
      %dma_start3A_105 = arith.constant 0 : i32
      %dma_start3A_106 = tpu.memref_slice %arg6[%arg0, %mul3A_98, %dma_start3A_105] : memref<2x10000x128xf32, #tpu.memory_space<hbm>> -> memref<1x624x128xf32, #tpu.memory_space<hbm>>
      %dma_start3A_107 = tpu.memref_squeeze %dma_start3A_106 : memref<1x624x128xf32, #tpu.memory_space<hbm>> -> memref<624x128xf32, #tpu.memory_space<hbm>>
      %dma_start3A_108 = arith.constant 0 : i32
      %dma_start3A_109 = tpu.memref_slice %arg10[%mul3A_96, %dma_start3A_108] : memref<10000x128xf32, #tpu.memory_space<vmem_shared>> -> memref<624x128xf32, #tpu.memory_space<vmem_shared>>
      tpu.enqueue_dma source(%dma_start3A_109 : memref<624x128xf32, #tpu.memory_space<vmem_shared>>) target(%dma_start3A_107 : memref<624x128xf32, #tpu.memory_space<hbm>>) target_semaphore(%run_scoped3A_104 : memref<!tpu.dma_semaphore, #tpu.memory_space<semaphore_mem>>)
      %dma_wait3A_110 = arith.constant 0 : i32
      %dma_wait3A_111 = tpu.memref_slice %arg6[%arg0, %mul3A_98, %dma_wait3A_110] : memref<2x10000x128xf32, #tpu.memory_space<hbm>> -> memref<1x624x128xf32, #tpu.memory_space<hbm>>
      %dma_wait3A_112 = tpu.memref_squeeze %dma_wait3A_111 : memref<1x624x128xf32, #tpu.memory_space<hbm>> -> memref<624x128xf32, #tpu.memory_space<hbm>>
      %dma_wait3A_113 = arith.constant 0 : i32
      %dma_wait3A_114 = tpu.memref_slice %arg10[%mul3A_96, %dma_wait3A_113] : memref<10000x128xf32, #tpu.memory_space<vmem_shared>> -> memref<624x128xf32, #tpu.memory_space<vmem_shared>>
      tpu.wait_dma2 semaphore(%run_scoped3A_104 : memref<!tpu.dma_semaphore, #tpu.memory_space<semaphore_mem>>) src(%dma_wait3A_114 : memref<624x128xf32, #tpu.memory_space<vmem_shared>>) dst(%dma_wait3A_112 : memref<624x128xf32, #tpu.memory_space<hbm>>)
      tpu.yield
    }) : () -> ()
    %eq3A_99 = arith.constant 15 : i32
    %eq3A_100 = arith.cmpi eq, %arg1, %eq3A_99 : i32
    %convert_element_type3A_101 = arith.extui %eq3A_100 : i1 to i32
    %cond3A_102 = arith.constant 0 : i32
    %cond3A_103 = arith.cmpi ne, %convert_element_type3A_101, %cond3A_102 : i32
    scf.if %cond3A_103 {
      "tpu.region"() ({
        %run_scoped3A_104 = tpu.sem_alloc : memref<!tpu.dma_semaphore, #tpu.memory_space<semaphore_mem>>
        %dma_start3A_105 = arith.constant 9984 : i32
        %dma_start3A_106 = arith.constant 0 : i32
        %dma_start3A_107 = tpu.memref_slice %arg6[%arg0, %dma_start3A_105, %dma_start3A_106] : memref<2x10000x128xf32, #tpu.memory_space<hbm>> -> memref<1x16x128xf32, #tpu.memory_space<hbm>>
        %dma_start3A_108 = tpu.memref_squeeze %dma_start3A_107 : memref<1x16x128xf32, #tpu.memory_space<hbm>> -> memref<16x128xf32, #tpu.memory_space<hbm>>
        %dma_start3A_109 = arith.constant 9984 : i32
        %dma_start3A_110 = arith.constant 0 : i32
        %dma_start3A_111 = tpu.memref_slice %arg10[%dma_start3A_109, %dma_start3A_110] : memref<10000x128xf32, #tpu.memory_space<vmem_shared>> -> memref<16x128xf32, #tpu.memory_space<vmem_shared>>
        tpu.enqueue_dma source(%dma_start3A_111 : memref<16x128xf32, #tpu.memory_space<vmem_shared>>) target(%dma_start3A_108 : memref<16x128xf32, #tpu.memory_space<hbm>>) target_semaphore(%run_scoped3A_104 : memref<!tpu.dma_semaphore, #tpu.memory_space<semaphore_mem>>)
        %dma_wait3A_112 = arith.constant 9984 : i32
        %dma_wait3A_113 = arith.constant 0 : i32
        %dma_wait3A_114 = tpu.memref_slice %arg6[%arg0, %dma_wait3A_112, %dma_wait3A_113] : memref<2x10000x128xf32, #tpu.memory_space<hbm>> -> memref<1x16x128xf32, #tpu.memory_space<hbm>>
        %dma_wait3A_115 = tpu.memref_squeeze %dma_wait3A_114 : memref<1x16x128xf32, #tpu.memory_space<hbm>> -> memref<16x128xf32, #tpu.memory_space<hbm>>
        %dma_wait3A_116 = arith.constant 9984 : i32
        %dma_wait3A_117 = arith.constant 0 : i32
        %dma_wait3A_118 = tpu.memref_slice %arg10[%dma_wait3A_116, %dma_wait3A_117] : memref<10000x128xf32, #tpu.memory_space<vmem_shared>> -> memref<16x128xf32, #tpu.memory_space<vmem_shared>>
        tpu.wait_dma2 semaphore(%run_scoped3A_104 : memref<!tpu.dma_semaphore, #tpu.memory_space<semaphore_mem>>) src(%dma_wait3A_118 : memref<16x128xf32, #tpu.memory_space<vmem_shared>>) dst(%dma_wait3A_115 : memref<16x128xf32, #tpu.memory_space<hbm>>)
        tpu.yield
      }) : () -> ()
    } else {
    }
    return
  }
}

#map = affine_map<(d0, d1) -> (0, 0, 0)>
#map1 = affine_map<(d0, d1) -> (0)>
module attributes {stable_mosaic.version = 14 : i64} {
  func.func @_deg_kernel(%arg0: i32, %arg1: i32, %arg2: memref<32x80x125xi32, #tpu.memory_space<hbm>>, %arg3: memref<20000xf32, #tpu.memory_space<hbm>>, %arg4: memref<80x125xi32, #tpu.memory_space<vmem>>, %arg5: memref<128xf32, #tpu.memory_space<vmem>>, %arg6: memref<640xf32, #tpu.memory_space<vmem>>, %arg7: memref<10000xf32, #tpu.memory_space<vmem_shared>>, %arg8: memref<!tpu.dma_semaphore, #tpu.memory_space<semaphore_mem>>, %arg9: memref<!tpu.dma_semaphore, #tpu.memory_space<semaphore_mem>>) attributes {dimension_semantics = [#tpu.dimension_semantics<core_parallel>, #tpu.dimension_semantics<subcore_parallel>], iteration_bounds = array<i64: 2, 16>, scalar_prefetch = 0 : i64, scratch_operands = 6 : i64, tpu.core_type = #tpu.core_type<sc_vector_subcore>, window_params = [{transform_indices = #map}, {transform_indices = #map1}]} {
    %mul3A = arith.constant 16 : i32
    %mul3A_0 = arith.muli %arg0, %mul3A : i32
    %add3A = arith.addi %mul3A_0, %arg1 : i32
    %broadcast_in_dim3A = arith.constant 1.000000e+00 : f32
    %broadcast_in_dim3A_1 = vector.broadcast %broadcast_in_dim3A : f32 to vector<16xf32>
    %swap3A = arith.constant 0 : index
    %swap3A_2 = tpu.vector_load %arg5[%swap3A] {strides = array<i32>} : memref<128xf32, #tpu.memory_space<vmem>>, vector<16xf32>,
    %swap3A_3 = vector.shape_cast %swap3A_2 : vector<16xf32> to vector<16xf32>
    %swap3A_4 = vector.shape_cast %broadcast_in_dim3A_1 : vector<16xf32> to vector<16xf32>
    tpu.vector_store %arg5[%swap3A], %swap3A_4 {strides = array<i32>} : memref<128xf32, #tpu.memory_space<vmem>>, vector<16xf32>,
    %broadcast_in_dim3A_5 = arith.constant 1.000000e+00 : f32
    %broadcast_in_dim3A_6 = vector.broadcast %broadcast_in_dim3A_5 : f32 to vector<16xf32>
    %swap3A_7 = arith.constant 16 : index
    %swap3A_8 = tpu.vector_load %arg5[%swap3A_7] {strides = array<i32>} : memref<128xf32, #tpu.memory_space<vmem>>, vector<16xf32>,
    %swap3A_9 = vector.shape_cast %swap3A_8 : vector<16xf32> to vector<16xf32>
    %swap3A_10 = vector.shape_cast %broadcast_in_dim3A_6 : vector<16xf32> to vector<16xf32>
    tpu.vector_store %arg5[%swap3A_7], %swap3A_10 {strides = array<i32>} : memref<128xf32, #tpu.memory_space<vmem>>, vector<16xf32>,
    %broadcast_in_dim3A_11 = arith.constant 1.000000e+00 : f32
    %broadcast_in_dim3A_12 = vector.broadcast %broadcast_in_dim3A_11 : f32 to vector<16xf32>
    %swap3A_13 = arith.constant 32 : index
    %swap3A_14 = tpu.vector_load %arg5[%swap3A_13] {strides = array<i32>} : memref<128xf32, #tpu.memory_space<vmem>>, vector<16xf32>,
    %swap3A_15 = vector.shape_cast %swap3A_14 : vector<16xf32> to vector<16xf32>
    %swap3A_16 = vector.shape_cast %broadcast_in_dim3A_12 : vector<16xf32> to vector<16xf32>
    tpu.vector_store %arg5[%swap3A_13], %swap3A_16 {strides = array<i32>} : memref<128xf32, #tpu.memory_space<vmem>>, vector<16xf32>,
    %broadcast_in_dim3A_17 = arith.constant 1.000000e+00 : f32
    %broadcast_in_dim3A_18 = vector.broadcast %broadcast_in_dim3A_17 : f32 to vector<16xf32>
    %swap3A_19 = arith.constant 48 : index
    %swap3A_20 = tpu.vector_load %arg5[%swap3A_19] {strides = array<i32>} : memref<128xf32, #tpu.memory_space<vmem>>, vector<16xf32>,
    %swap3A_21 = vector.shape_cast %swap3A_20 : vector<16xf32> to vector<16xf32>
    %swap3A_22 = vector.shape_cast %broadcast_in_dim3A_18 : vector<16xf32> to vector<16xf32>
    tpu.vector_store %arg5[%swap3A_19], %swap3A_22 {strides = array<i32>} : memref<128xf32, #tpu.memory_space<vmem>>, vector<16xf32>,
    %broadcast_in_dim3A_23 = arith.constant 1.000000e+00 : f32
    %broadcast_in_dim3A_24 = vector.broadcast %broadcast_in_dim3A_23 : f32 to vector<16xf32>
    %swap3A_25 = arith.constant 64 : index
    %swap3A_26 = tpu.vector_load %arg5[%swap3A_25] {strides = array<i32>} : memref<128xf32, #tpu.memory_space<vmem>>, vector<16xf32>,
    %swap3A_27 = vector.shape_cast %swap3A_26 : vector<16xf32> to vector<16xf32>
    %swap3A_28 = vector.shape_cast %broadcast_in_dim3A_24 : vector<16xf32> to vector<16xf32>
    tpu.vector_store %arg5[%swap3A_25], %swap3A_28 {strides = array<i32>} : memref<128xf32, #tpu.memory_space<vmem>>, vector<16xf32>,
    %broadcast_in_dim3A_29 = arith.constant 1.000000e+00 : f32
    %broadcast_in_dim3A_30 = vector.broadcast %broadcast_in_dim3A_29 : f32 to vector<16xf32>
    %swap3A_31 = arith.constant 80 : index
    %swap3A_32 = tpu.vector_load %arg5[%swap3A_31] {strides = array<i32>} : memref<128xf32, #tpu.memory_space<vmem>>, vector<16xf32>,
    %swap3A_33 = vector.shape_cast %swap3A_32 : vector<16xf32> to vector<16xf32>
    %swap3A_34 = vector.shape_cast %broadcast_in_dim3A_30 : vector<16xf32> to vector<16xf32>
    tpu.vector_store %arg5[%swap3A_31], %swap3A_34 {strides = array<i32>} : memref<128xf32, #tpu.memory_space<vmem>>, vector<16xf32>,
    %broadcast_in_dim3A_35 = arith.constant 1.000000e+00 : f32
    %broadcast_in_dim3A_36 = vector.broadcast %broadcast_in_dim3A_35 : f32 to vector<16xf32>
    %swap3A_37 = arith.constant 96 : index
    %swap3A_38 = tpu.vector_load %arg5[%swap3A_37] {strides = array<i32>} : memref<128xf32, #tpu.memory_space<vmem>>, vector<16xf32>,
    %swap3A_39 = vector.shape_cast %swap3A_38 : vector<16xf32> to vector<16xf32>
    %swap3A_40 = vector.shape_cast %broadcast_in_dim3A_36 : vector<16xf32> to vector<16xf32>
    tpu.vector_store %arg5[%swap3A_37], %swap3A_40 {strides = array<i32>} : memref<128xf32, #tpu.memory_space<vmem>>, vector<16xf32>,
    %broadcast_in_dim3A_41 = arith.constant 1.000000e+00 : f32
    %broadcast_in_dim3A_42 = vector.broadcast %broadcast_in_dim3A_41 : f32 to vector<16xf32>
    %swap3A_43 = arith.constant 112 : index
    %swap3A_44 = tpu.vector_load %arg5[%swap3A_43] {strides = array<i32>} : memref<128xf32, #tpu.memory_space<vmem>>, vector<16xf32>,
    %swap3A_45 = vector.shape_cast %swap3A_44 : vector<16xf32> to vector<16xf32>
    %swap3A_46 = vector.shape_cast %broadcast_in_dim3A_42 : vector<16xf32> to vector<16xf32>
    tpu.vector_store %arg5[%swap3A_43], %swap3A_46 {strides = array<i32>} : memref<128xf32, #tpu.memory_space<vmem>>, vector<16xf32>,
    %broadcast_in_dim3A_47 = arith.constant 0.000000e+00 : f32
    %broadcast_in_dim3A_48 = vector.broadcast %broadcast_in_dim3A_47 : f32 to vector<16xf32>
    %swap3A_49 = arith.constant 0 : index
    %swap3A_50 = tpu.vector_load %arg6[%swap3A_49] {strides = array<i32>} : memref<640xf32, #tpu.memory_space<vmem>>, vector<16xf32>,
    %swap3A_51 = vector.shape_cast %swap3A_50 : vector<16xf32> to vector<16xf32>
    %swap3A_52 = vector.shape_cast %broadcast_in_dim3A_48 : vector<16xf32> to vector<16xf32>
    tpu.vector_store %arg6[%swap3A_49], %swap3A_52 {strides = array<i32>} : memref<640xf32, #tpu.memory_space<vmem>>, vector<16xf32>,
    %broadcast_in_dim3A_53 = arith.constant 0.000000e+00 : f32
    %broadcast_in_dim3A_54 = vector.broadcast %broadcast_in_dim3A_53 : f32 to vector<16xf32>
    %swap3A_55 = arith.constant 16 : index
    %swap3A_56 = tpu.vector_load %arg6[%swap3A_55] {strides = array<i32>} : memref<640xf32, #tpu.memory_space<vmem>>, vector<16xf32>,
    %swap3A_57 = vector.shape_cast %swap3A_56 : vector<16xf32> to vector<16xf32>
    %swap3A_58 = vector.shape_cast %broadcast_in_dim3A_54 : vector<16xf32> to vector<16xf32>
    tpu.vector_store %arg6[%swap3A_55], %swap3A_58 {strides = array<i32>} : memref<640xf32, #tpu.memory_space<vmem>>, vector<16xf32>,
    %broadcast_in_dim3A_59 = arith.constant 0.000000e+00 : f32
    %broadcast_in_dim3A_60 = vector.broadcast %broadcast_in_dim3A_59 : f32 to vector<16xf32>
    %swap3A_61 = arith.constant 32 : index
    %swap3A_62 = tpu.vector_load %arg6[%swap3A_61] {strides = array<i32>} : memref<640xf32, #tpu.memory_space<vmem>>, vector<16xf32>,
    %swap3A_63 = vector.shape_cast %swap3A_62 : vector<16xf32> to vector<16xf32>
    %swap3A_64 = vector.shape_cast %broadcast_in_dim3A_60 : vector<16xf32> to vector<16xf32>
    tpu.vector_store %arg6[%swap3A_61], %swap3A_64 {strides = array<i32>} : memref<640xf32, #tpu.memory_space<vmem>>, vector<16xf32>,
    %broadcast_in_dim3A_65 = arith.constant 0.000000e+00 : f32
    %broadcast_in_dim3A_66 = vector.broadcast %broadcast_in_dim3A_65 : f32 to vector<16xf32>
    %swap3A_67 = arith.constant 48 : index
    %swap3A_68 = tpu.vector_load %arg6[%swap3A_67] {strides = array<i32>} : memref<640xf32, #tpu.memory_space<vmem>>, vector<16xf32>,
    %swap3A_69 = vector.shape_cast %swap3A_68 : vector<16xf32> to vector<16xf32>
    %swap3A_70 = vector.shape_cast %broadcast_in_dim3A_66 : vector<16xf32> to vector<16xf32>
    tpu.vector_store %arg6[%swap3A_67], %swap3A_70 {strides = array<i32>} : memref<640xf32, #tpu.memory_space<vmem>>, vector<16xf32>,
    %broadcast_in_dim3A_71 = arith.constant 0.000000e+00 : f32
    %broadcast_in_dim3A_72 = vector.broadcast %broadcast_in_dim3A_71 : f32 to vector<16xf32>
    %swap3A_73 = arith.constant 64 : index
    %swap3A_74 = tpu.vector_load %arg6[%swap3A_73] {strides = array<i32>} : memref<640xf32, #tpu.memory_space<vmem>>, vector<16xf32>,
    %swap3A_75 = vector.shape_cast %swap3A_74 : vector<16xf32> to vector<16xf32>
    %swap3A_76 = vector.shape_cast %broadcast_in_dim3A_72 : vector<16xf32> to vector<16xf32>
    tpu.vector_store %arg6[%swap3A_73], %swap3A_76 {strides = array<i32>} : memref<640xf32, #tpu.memory_space<vmem>>, vector<16xf32>,
    %broadcast_in_dim3A_77 = arith.constant 0.000000e+00 : f32
    %broadcast_in_dim3A_78 = vector.broadcast %broadcast_in_dim3A_77 : f32 to vector<16xf32>
    %swap3A_79 = arith.constant 80 : index
    %swap3A_80 = tpu.vector_load %arg6[%swap3A_79] {strides = array<i32>} : memref<640xf32, #tpu.memory_space<vmem>>, vector<16xf32>,
    %swap3A_81 = vector.shape_cast %swap3A_80 : vector<16xf32> to vector<16xf32>
    %swap3A_82 = vector.shape_cast %broadcast_in_dim3A_78 : vector<16xf32> to vector<16xf32>
    tpu.vector_store %arg6[%swap3A_79], %swap3A_82 {strides = array<i32>} : memref<640xf32, #tpu.memory_space<vmem>>, vector<16xf32>,
    %broadcast_in_dim3A_83 = arith.constant 0.000000e+00 : f32
    %broadcast_in_dim3A_84 = vector.broadcast %broadcast_in_dim3A_83 : f32 to vector<16xf32>
    %swap3A_85 = arith.constant 96 : index
    %swap3A_86 = tpu.vector_load %arg6[%swap3A_85] {strides = array<i32>} : memref<640xf32, #tpu.memory_space<vmem>>, vector<16xf32>,
    %swap3A_87 = vector.shape_cast %swap3A_86 : vector<16xf32> to vector<16xf32>
    %swap3A_88 = vector.shape_cast %broadcast_in_dim3A_84 : vector<16xf32> to vector<16xf32>
    tpu.vector_store %arg6[%swap3A_85], %swap3A_88 {strides = array<i32>} : memref<640xf32, #tpu.memory_space<vmem>>, vector<16xf32>,
    %broadcast_in_dim3A_89 = arith.constant 0.000000e+00 : f32
    %broadcast_in_dim3A_90 = vector.broadcast %broadcast_in_dim3A_89 : f32 to vector<16xf32>
    %swap3A_91 = arith.constant 112 : index
    %swap3A_92 = tpu.vector_load %arg6[%swap3A_91] {strides = array<i32>} : memref<640xf32, #tpu.memory_space<vmem>>, vector<16xf32>,
    %swap3A_93 = vector.shape_cast %swap3A_92 : vector<16xf32> to vector<16xf32>
    %swap3A_94 = vector.shape_cast %broadcast_in_dim3A_90 : vector<16xf32> to vector<16xf32>
    tpu.vector_store %arg6[%swap3A_91], %swap3A_94 {strides = array<i32>} : memref<640xf32, #tpu.memory_space<vmem>>, vector<16xf32>,
    %broadcast_in_dim3A_95 = arith.constant 0.000000e+00 : f32
    %broadcast_in_dim3A_96 = vector.broadcast %broadcast_in_dim3A_95 : f32 to vector<16xf32>
    %swap3A_97 = arith.constant 128 : index
    %swap3A_98 = tpu.vector_load %arg6[%swap3A_97] {strides = array<i32>} : memref<640xf32, #tpu.memory_space<vmem>>, vector<16xf32>,
    %swap3A_99 = vector.shape_cast %swap3A_98 : vector<16xf32> to vector<16xf32>
    %swap3A_100 = vector.shape_cast %broadcast_in_dim3A_96 : vector<16xf32> to vector<16xf32>
    tpu.vector_store %arg6[%swap3A_97], %swap3A_100 {strides = array<i32>} : memref<640xf32, #tpu.memory_space<vmem>>, vector<16xf32>,
    %broadcast_in_dim3A_101 = arith.constant 0.000000e+00 : f32
    %broadcast_in_dim3A_102 = vector.broadcast %broadcast_in_dim3A_101 : f32 to vector<16xf32>
    %swap3A_103 = arith.constant 144 : index
    %swap3A_104 = tpu.vector_load %arg6[%swap3A_103] {strides = array<i32>} : memref<640xf32, #tpu.memory_space<vmem>>, vector<16xf32>,
    %swap3A_105 = vector.shape_cast %swap3A_104 : vector<16xf32> to vector<16xf32>
    %swap3A_106 = vector.shape_cast %broadcast_in_dim3A_102 : vector<16xf32> to vector<16xf32>
    tpu.vector_store %arg6[%swap3A_103], %swap3A_106 {strides = array<i32>} : memref<640xf32, #tpu.memory_space<vmem>>, vector<16xf32>,
    %broadcast_in_dim3A_107 = arith.constant 0.000000e+00 : f32
    %broadcast_in_dim3A_108 = vector.broadcast %broadcast_in_dim3A_107 : f32 to vector<16xf32>
    %swap3A_109 = arith.constant 160 : index
    %swap3A_110 = tpu.vector_load %arg6[%swap3A_109] {strides = array<i32>} : memref<640xf32, #tpu.memory_space<vmem>>, vector<16xf32>,
    %swap3A_111 = vector.shape_cast %swap3A_110 : vector<16xf32> to vector<16xf32>
    %swap3A_112 = vector.shape_cast %broadcast_in_dim3A_108 : vector<16xf32> to vector<16xf32>
    tpu.vector_store %arg6[%swap3A_109], %swap3A_112 {strides = array<i32>} : memref<640xf32, #tpu.memory_space<vmem>>, vector<16xf32>,
    %broadcast_in_dim3A_113 = arith.constant 0.000000e+00 : f32
    %broadcast_in_dim3A_114 = vector.broadcast %broadcast_in_dim3A_113 : f32 to vector<16xf32>
    %swap3A_115 = arith.constant 176 : index
    %swap3A_116 = tpu.vector_load %arg6[%swap3A_115] {strides = array<i32>} : memref<640xf32, #tpu.memory_space<vmem>>, vector<16xf32>,
    %swap3A_117 = vector.shape_cast %swap3A_116 : vector<16xf32> to vector<16xf32>
    %swap3A_118 = vector.shape_cast %broadcast_in_dim3A_114 : vector<16xf32> to vector<16xf32>
    tpu.vector_store %arg6[%swap3A_115], %swap3A_118 {strides = array<i32>} : memref<640xf32, #tpu.memory_space<vmem>>, vector<16xf32>,
    %broadcast_in_dim3A_119 = arith.constant 0.000000e+00 : f32
    %broadcast_in_dim3A_120 = vector.broadcast %broadcast_in_dim3A_119 : f32 to vector<16xf32>
    %swap3A_121 = arith.constant 192 : index
    %swap3A_122 = tpu.vector_load %arg6[%swap3A_121] {strides = array<i32>} : memref<640xf32, #tpu.memory_space<vmem>>, vector<16xf32>,
    %swap3A_123 = vector.shape_cast %swap3A_122 : vector<16xf32> to vector<16xf32>
    %swap3A_124 = vector.shape_cast %broadcast_in_dim3A_120 : vector<16xf32> to vector<16xf32>
    tpu.vector_store %arg6[%swap3A_121], %swap3A_124 {strides = array<i32>} : memref<640xf32, #tpu.memory_space<vmem>>, vector<16xf32>,
    %broadcast_in_dim3A_125 = arith.constant 0.000000e+00 : f32
    %broadcast_in_dim3A_126 = vector.broadcast %broadcast_in_dim3A_125 : f32 to vector<16xf32>
    %swap3A_127 = arith.constant 208 : index
    %swap3A_128 = tpu.vector_load %arg6[%swap3A_127] {strides = array<i32>} : memref<640xf32, #tpu.memory_space<vmem>>, vector<16xf32>,
    %swap3A_129 = vector.shape_cast %swap3A_128 : vector<16xf32> to vector<16xf32>
    %swap3A_130 = vector.shape_cast %broadcast_in_dim3A_126 : vector<16xf32> to vector<16xf32>
    tpu.vector_store %arg6[%swap3A_127], %swap3A_130 {strides = array<i32>} : memref<640xf32, #tpu.memory_space<vmem>>, vector<16xf32>,
    %broadcast_in_dim3A_131 = arith.constant 0.000000e+00 : f32
    %broadcast_in_dim3A_132 = vector.broadcast %broadcast_in_dim3A_131 : f32 to vector<16xf32>
    %swap3A_133 = arith.constant 224 : index
    %swap3A_134 = tpu.vector_load %arg6[%swap3A_133] {strides = array<i32>} : memref<640xf32, #tpu.memory_space<vmem>>, vector<16xf32>,
    %swap3A_135 = vector.shape_cast %swap3A_134 : vector<16xf32> to vector<16xf32>
    %swap3A_136 = vector.shape_cast %broadcast_in_dim3A_132 : vector<16xf32> to vector<16xf32>
    tpu.vector_store %arg6[%swap3A_133], %swap3A_136 {strides = array<i32>} : memref<640xf32, #tpu.memory_space<vmem>>, vector<16xf32>,
    %broadcast_in_dim3A_137 = arith.constant 0.000000e+00 : f32
    %broadcast_in_dim3A_138 = vector.broadcast %broadcast_in_dim3A_137 : f32 to vector<16xf32>
    %swap3A_139 = arith.constant 240 : index
    %swap3A_140 = tpu.vector_load %arg6[%swap3A_139] {strides = array<i32>} : memref<640xf32, #tpu.memory_space<vmem>>, vector<16xf32>,
    %swap3A_141 = vector.shape_cast %swap3A_140 : vector<16xf32> to vector<16xf32>
    %swap3A_142 = vector.shape_cast %broadcast_in_dim3A_138 : vector<16xf32> to vector<16xf32>
    tpu.vector_store %arg6[%swap3A_139], %swap3A_142 {strides = array<i32>} : memref<640xf32, #tpu.memory_space<vmem>>, vector<16xf32>,
    %broadcast_in_dim3A_143 = arith.constant 0.000000e+00 : f32
    %broadcast_in_dim3A_144 = vector.broadcast %broadcast_in_dim3A_143 : f32 to vector<16xf32>
    %swap3A_145 = arith.constant 256 : index
    %swap3A_146 = tpu.vector_load %arg6[%swap3A_145] {strides = array<i32>} : memref<640xf32, #tpu.memory_space<vmem>>, vector<16xf32>,
    %swap3A_147 = vector.shape_cast %swap3A_146 : vector<16xf32> to vector<16xf32>
    %swap3A_148 = vector.shape_cast %broadcast_in_dim3A_144 : vector<16xf32> to vector<16xf32>
    tpu.vector_store %arg6[%swap3A_145], %swap3A_148 {strides = array<i32>} : memref<640xf32, #tpu.memory_space<vmem>>, vector<16xf32>,
    %broadcast_in_dim3A_149 = arith.constant 0.000000e+00 : f32
    %broadcast_in_dim3A_150 = vector.broadcast %broadcast_in_dim3A_149 : f32 to vector<16xf32>
    %swap3A_151 = arith.constant 272 : index
    %swap3A_152 = tpu.vector_load %arg6[%swap3A_151] {strides = array<i32>} : memref<640xf32, #tpu.memory_space<vmem>>, vector<16xf32>,
    %swap3A_153 = vector.shape_cast %swap3A_152 : vector<16xf32> to vector<16xf32>
    %swap3A_154 = vector.shape_cast %broadcast_in_dim3A_150 : vector<16xf32> to vector<16xf32>
    tpu.vector_store %arg6[%swap3A_151], %swap3A_154 {strides = array<i32>} : memref<640xf32, #tpu.memory_space<vmem>>, vector<16xf32>,
    %broadcast_in_dim3A_155 = arith.constant 0.000000e+00 : f32
    %broadcast_in_dim3A_156 = vector.broadcast %broadcast_in_dim3A_155 : f32 to vector<16xf32>
    %swap3A_157 = arith.constant 288 : index
    %swap3A_158 = tpu.vector_load %arg6[%swap3A_157] {strides = array<i32>} : memref<640xf32, #tpu.memory_space<vmem>>, vector<16xf32>,
    %swap3A_159 = vector.shape_cast %swap3A_158 : vector<16xf32> to vector<16xf32>
    %swap3A_160 = vector.shape_cast %broadcast_in_dim3A_156 : vector<16xf32> to vector<16xf32>
    tpu.vector_store %arg6[%swap3A_157], %swap3A_160 {strides = array<i32>} : memref<640xf32, #tpu.memory_space<vmem>>, vector<16xf32>,
    %broadcast_in_dim3A_161 = arith.constant 0.000000e+00 : f32
    %broadcast_in_dim3A_162 = vector.broadcast %broadcast_in_dim3A_161 : f32 to vector<16xf32>
    %swap3A_163 = arith.constant 304 : index
    %swap3A_164 = tpu.vector_load %arg6[%swap3A_163] {strides = array<i32>} : memref<640xf32, #tpu.memory_space<vmem>>, vector<16xf32>,
    %swap3A_165 = vector.shape_cast %swap3A_164 : vector<16xf32> to vector<16xf32>
    %swap3A_166 = vector.shape_cast %broadcast_in_dim3A_162 : vector<16xf32> to vector<16xf32>
    tpu.vector_store %arg6[%swap3A_163], %swap3A_166 {strides = array<i32>} : memref<640xf32, #tpu.memory_space<vmem>>, vector<16xf32>,
    %broadcast_in_dim3A_167 = arith.constant 0.000000e+00 : f32
    %broadcast_in_dim3A_168 = vector.broadcast %broadcast_in_dim3A_167 : f32 to vector<16xf32>
    %swap3A_169 = arith.constant 320 : index
    %swap3A_170 = tpu.vector_load %arg6[%swap3A_169] {strides = array<i32>} : memref<640xf32, #tpu.memory_space<vmem>>, vector<16xf32>,
    %swap3A_171 = vector.shape_cast %swap3A_170 : vector<16xf32> to vector<16xf32>
    %swap3A_172 = vector.shape_cast %broadcast_in_dim3A_168 : vector<16xf32> to vector<16xf32>
    tpu.vector_store %arg6[%swap3A_169], %swap3A_172 {strides = array<i32>} : memref<640xf32, #tpu.memory_space<vmem>>, vector<16xf32>,
    %broadcast_in_dim3A_173 = arith.constant 0.000000e+00 : f32
    %broadcast_in_dim3A_174 = vector.broadcast %broadcast_in_dim3A_173 : f32 to vector<16xf32>
    %swap3A_175 = arith.constant 336 : index
    %swap3A_176 = tpu.vector_load %arg6[%swap3A_175] {strides = array<i32>} : memref<640xf32, #tpu.memory_space<vmem>>, vector<16xf32>,
    %swap3A_177 = vector.shape_cast %swap3A_176 : vector<16xf32> to vector<16xf32>
    %swap3A_178 = vector.shape_cast %broadcast_in_dim3A_174 : vector<16xf32> to vector<16xf32>
    tpu.vector_store %arg6[%swap3A_175], %swap3A_178 {strides = array<i32>} : memref<640xf32, #tpu.memory_space<vmem>>, vector<16xf32>,
    %broadcast_in_dim3A_179 = arith.constant 0.000000e+00 : f32
    %broadcast_in_dim3A_180 = vector.broadcast %broadcast_in_dim3A_179 : f32 to vector<16xf32>
    %swap3A_181 = arith.constant 352 : index
    %swap3A_182 = tpu.vector_load %arg6[%swap3A_181] {strides = array<i32>} : memref<640xf32, #tpu.memory_space<vmem>>, vector<16xf32>,
    %swap3A_183 = vector.shape_cast %swap3A_182 : vector<16xf32> to vector<16xf32>
    %swap3A_184 = vector.shape_cast %broadcast_in_dim3A_180 : vector<16xf32> to vector<16xf32>
    tpu.vector_store %arg6[%swap3A_181], %swap3A_184 {strides = array<i32>} : memref<640xf32, #tpu.memory_space<vmem>>, vector<16xf32>,
    %broadcast_in_dim3A_185 = arith.constant 0.000000e+00 : f32
    %broadcast_in_dim3A_186 = vector.broadcast %broadcast_in_dim3A_185 : f32 to vector<16xf32>
    %swap3A_187 = arith.constant 368 : index
    %swap3A_188 = tpu.vector_load %arg6[%swap3A_187] {strides = array<i32>} : memref<640xf32, #tpu.memory_space<vmem>>, vector<16xf32>,
    %swap3A_189 = vector.shape_cast %swap3A_188 : vector<16xf32> to vector<16xf32>
    %swap3A_190 = vector.shape_cast %broadcast_in_dim3A_186 : vector<16xf32> to vector<16xf32>
    tpu.vector_store %arg6[%swap3A_187], %swap3A_190 {strides = array<i32>} : memref<640xf32, #tpu.memory_space<vmem>>, vector<16xf32>,
    %broadcast_in_dim3A_191 = arith.constant 0.000000e+00 : f32
    %broadcast_in_dim3A_192 = vector.broadcast %broadcast_in_dim3A_191 : f32 to vector<16xf32>
    %swap3A_193 = arith.constant 384 : index
    %swap3A_194 = tpu.vector_load %arg6[%swap3A_193] {strides = array<i32>} : memref<640xf32, #tpu.memory_space<vmem>>, vector<16xf32>,
    %swap3A_195 = vector.shape_cast %swap3A_194 : vector<16xf32> to vector<16xf32>
    %swap3A_196 = vector.shape_cast %broadcast_in_dim3A_192 : vector<16xf32> to vector<16xf32>
    tpu.vector_store %arg6[%swap3A_193], %swap3A_196 {strides = array<i32>} : memref<640xf32, #tpu.memory_space<vmem>>, vector<16xf32>,
    %broadcast_in_dim3A_197 = arith.constant 0.000000e+00 : f32
    %broadcast_in_dim3A_198 = vector.broadcast %broadcast_in_dim3A_197 : f32 to vector<16xf32>
    %swap3A_199 = arith.constant 400 : index
    %swap3A_200 = tpu.vector_load %arg6[%swap3A_199] {strides = array<i32>} : memref<640xf32, #tpu.memory_space<vmem>>, vector<16xf32>,
    %swap3A_201 = vector.shape_cast %swap3A_200 : vector<16xf32> to vector<16xf32>
    %swap3A_202 = vector.shape_cast %broadcast_in_dim3A_198 : vector<16xf32> to vector<16xf32>
    tpu.vector_store %arg6[%swap3A_199], %swap3A_202 {strides = array<i32>} : memref<640xf32, #tpu.memory_space<vmem>>, vector<16xf32>,
    %broadcast_in_dim3A_203 = arith.constant 0.000000e+00 : f32
    %broadcast_in_dim3A_204 = vector.broadcast %broadcast_in_dim3A_203 : f32 to vector<16xf32>
    %swap3A_205 = arith.constant 416 : index
    %swap3A_206 = tpu.vector_load %arg6[%swap3A_205] {strides = array<i32>} : memref<640xf32, #tpu.memory_space<vmem>>, vector<16xf32>,
    %swap3A_207 = vector.shape_cast %swap3A_206 : vector<16xf32> to vector<16xf32>
    %swap3A_208 = vector.shape_cast %broadcast_in_dim3A_204 : vector<16xf32> to vector<16xf32>
    tpu.vector_store %arg6[%swap3A_205], %swap3A_208 {strides = array<i32>} : memref<640xf32, #tpu.memory_space<vmem>>, vector<16xf32>,
    %broadcast_in_dim3A_209 = arith.constant 0.000000e+00 : f32
    %broadcast_in_dim3A_210 = vector.broadcast %broadcast_in_dim3A_209 : f32 to vector<16xf32>
    %swap3A_211 = arith.constant 432 : index
    %swap3A_212 = tpu.vector_load %arg6[%swap3A_211] {strides = array<i32>} : memref<640xf32, #tpu.memory_space<vmem>>, vector<16xf32>,
    %swap3A_213 = vector.shape_cast %swap3A_212 : vector<16xf32> to vector<16xf32>
    %swap3A_214 = vector.shape_cast %broadcast_in_dim3A_210 : vector<16xf32> to vector<16xf32>
    tpu.vector_store %arg6[%swap3A_211], %swap3A_214 {strides = array<i32>} : memref<640xf32, #tpu.memory_space<vmem>>, vector<16xf32>,
    %broadcast_in_dim3A_215 = arith.constant 0.000000e+00 : f32
    %broadcast_in_dim3A_216 = vector.broadcast %broadcast_in_dim3A_215 : f32 to vector<16xf32>
    %swap3A_217 = arith.constant 448 : index
    %swap3A_218 = tpu.vector_load %arg6[%swap3A_217] {strides = array<i32>} : memref<640xf32, #tpu.memory_space<vmem>>, vector<16xf32>,
    %swap3A_219 = vector.shape_cast %swap3A_218 : vector<16xf32> to vector<16xf32>
    %swap3A_220 = vector.shape_cast %broadcast_in_dim3A_216 : vector<16xf32> to vector<16xf32>
    tpu.vector_store %arg6[%swap3A_217], %swap3A_220 {strides = array<i32>} : memref<640xf32, #tpu.memory_space<vmem>>, vector<16xf32>,
    %broadcast_in_dim3A_221 = arith.constant 0.000000e+00 : f32
    %broadcast_in_dim3A_222 = vector.broadcast %broadcast_in_dim3A_221 : f32 to vector<16xf32>
    %swap3A_223 = arith.constant 464 : index
    %swap3A_224 = tpu.vector_load %arg6[%swap3A_223] {strides = array<i32>} : memref<640xf32, #tpu.memory_space<vmem>>, vector<16xf32>,
    %swap3A_225 = vector.shape_cast %swap3A_224 : vector<16xf32> to vector<16xf32>
    %swap3A_226 = vector.shape_cast %broadcast_in_dim3A_222 : vector<16xf32> to vector<16xf32>
    tpu.vector_store %arg6[%swap3A_223], %swap3A_226 {strides = array<i32>} : memref<640xf32, #tpu.memory_space<vmem>>, vector<16xf32>,
    %broadcast_in_dim3A_227 = arith.constant 0.000000e+00 : f32
    %broadcast_in_dim3A_228 = vector.broadcast %broadcast_in_dim3A_227 : f32 to vector<16xf32>
    %swap3A_229 = arith.constant 480 : index
    %swap3A_230 = tpu.vector_load %arg6[%swap3A_229] {strides = array<i32>} : memref<640xf32, #tpu.memory_space<vmem>>, vector<16xf32>,
    %swap3A_231 = vector.shape_cast %swap3A_230 : vector<16xf32> to vector<16xf32>
    %swap3A_232 = vector.shape_cast %broadcast_in_dim3A_228 : vector<16xf32> to vector<16xf32>
    tpu.vector_store %arg6[%swap3A_229], %swap3A_232 {strides = array<i32>} : memref<640xf32, #tpu.memory_space<vmem>>, vector<16xf32>,
    %broadcast_in_dim3A_233 = arith.constant 0.000000e+00 : f32
    %broadcast_in_dim3A_234 = vector.broadcast %broadcast_in_dim3A_233 : f32 to vector<16xf32>
    %swap3A_235 = arith.constant 496 : index
    %swap3A_236 = tpu.vector_load %arg6[%swap3A_235] {strides = array<i32>} : memref<640xf32, #tpu.memory_space<vmem>>, vector<16xf32>,
    %swap3A_237 = vector.shape_cast %swap3A_236 : vector<16xf32> to vector<16xf32>
    %swap3A_238 = vector.shape_cast %broadcast_in_dim3A_234 : vector<16xf32> to vector<16xf32>
    tpu.vector_store %arg6[%swap3A_235], %swap3A_238 {strides = array<i32>} : memref<640xf32, #tpu.memory_space<vmem>>, vector<16xf32>,
    %broadcast_in_dim3A_239 = arith.constant 0.000000e+00 : f32
    %broadcast_in_dim3A_240 = vector.broadcast %broadcast_in_dim3A_239 : f32 to vector<16xf32>
    %swap3A_241 = arith.constant 512 : index
    %swap3A_242 = tpu.vector_load %arg6[%swap3A_241] {strides = array<i32>} : memref<640xf32, #tpu.memory_space<vmem>>, vector<16xf32>,
    %swap3A_243 = vector.shape_cast %swap3A_242 : vector<16xf32> to vector<16xf32>
    %swap3A_244 = vector.shape_cast %broadcast_in_dim3A_240 : vector<16xf32> to vector<16xf32>
    tpu.vector_store %arg6[%swap3A_241], %swap3A_244 {strides = array<i32>} : memref<640xf32, #tpu.memory_space<vmem>>, vector<16xf32>,
    %broadcast_in_dim3A_245 = arith.constant 0.000000e+00 : f32
    %broadcast_in_dim3A_246 = vector.broadcast %broadcast_in_dim3A_245 : f32 to vector<16xf32>
    %swap3A_247 = arith.constant 528 : index
    %swap3A_248 = tpu.vector_load %arg6[%swap3A_247] {strides = array<i32>} : memref<640xf32, #tpu.memory_space<vmem>>, vector<16xf32>,
    %swap3A_249 = vector.shape_cast %swap3A_248 : vector<16xf32> to vector<16xf32>
    %swap3A_250 = vector.shape_cast %broadcast_in_dim3A_246 : vector<16xf32> to vector<16xf32>
    tpu.vector_store %arg6[%swap3A_247], %swap3A_250 {strides = array<i32>} : memref<640xf32, #tpu.memory_space<vmem>>, vector<16xf32>,
    %broadcast_in_dim3A_251 = arith.constant 0.000000e+00 : f32
    %broadcast_in_dim3A_252 = vector.broadcast %broadcast_in_dim3A_251 : f32 to vector<16xf32>
    %swap3A_253 = arith.constant 544 : index
    %swap3A_254 = tpu.vector_load %arg6[%swap3A_253] {strides = array<i32>} : memref<640xf32, #tpu.memory_space<vmem>>, vector<16xf32>,
    %swap3A_255 = vector.shape_cast %swap3A_254 : vector<16xf32> to vector<16xf32>
    %swap3A_256 = vector.shape_cast %broadcast_in_dim3A_252 : vector<16xf32> to vector<16xf32>
    tpu.vector_store %arg6[%swap3A_253], %swap3A_256 {strides = array<i32>} : memref<640xf32, #tpu.memory_space<vmem>>, vector<16xf32>,
    %broadcast_in_dim3A_257 = arith.constant 0.000000e+00 : f32
    %broadcast_in_dim3A_258 = vector.broadcast %broadcast_in_dim3A_257 : f32 to vector<16xf32>
    %swap3A_259 = arith.constant 560 : index
    %swap3A_260 = tpu.vector_load %arg6[%swap3A_259] {strides = array<i32>} : memref<640xf32, #tpu.memory_space<vmem>>, vector<16xf32>,
    %swap3A_261 = vector.shape_cast %swap3A_260 : vector<16xf32> to vector<16xf32>
    %swap3A_262 = vector.shape_cast %broadcast_in_dim3A_258 : vector<16xf32> to vector<16xf32>
    tpu.vector_store %arg6[%swap3A_259], %swap3A_262 {strides = array<i32>} : memref<640xf32, #tpu.memory_space<vmem>>, vector<16xf32>,
    %broadcast_in_dim3A_263 = arith.constant 0.000000e+00 : f32
    %broadcast_in_dim3A_264 = vector.broadcast %broadcast_in_dim3A_263 : f32 to vector<16xf32>
    %swap3A_265 = arith.constant 576 : index
    %swap3A_266 = tpu.vector_load %arg6[%swap3A_265] {strides = array<i32>} : memref<640xf32, #tpu.memory_space<vmem>>, vector<16xf32>,
    %swap3A_267 = vector.shape_cast %swap3A_266 : vector<16xf32> to vector<16xf32>
    %swap3A_268 = vector.shape_cast %broadcast_in_dim3A_264 : vector<16xf32> to vector<16xf32>
    tpu.vector_store %arg6[%swap3A_265], %swap3A_268 {strides = array<i32>} : memref<640xf32, #tpu.memory_space<vmem>>, vector<16xf32>,
    %broadcast_in_dim3A_269 = arith.constant 0.000000e+00 : f32
    %broadcast_in_dim3A_270 = vector.broadcast %broadcast_in_dim3A_269 : f32 to vector<16xf32>
    %swap3A_271 = arith.constant 592 : index
    %swap3A_272 = tpu.vector_load %arg6[%swap3A_271] {strides = array<i32>} : memref<640xf32, #tpu.memory_space<vmem>>, vector<16xf32>,
    %swap3A_273 = vector.shape_cast %swap3A_272 : vector<16xf32> to vector<16xf32>
    %swap3A_274 = vector.shape_cast %broadcast_in_dim3A_270 : vector<16xf32> to vector<16xf32>
    tpu.vector_store %arg6[%swap3A_271], %swap3A_274 {strides = array<i32>} : memref<640xf32, #tpu.memory_space<vmem>>, vector<16xf32>,
    %broadcast_in_dim3A_275 = arith.constant 0.000000e+00 : f32
    %broadcast_in_dim3A_276 = vector.broadcast %broadcast_in_dim3A_275 : f32 to vector<16xf32>
    %swap3A_277 = arith.constant 608 : index
    %swap3A_278 = tpu.vector_load %arg6[%swap3A_277] {strides = array<i32>} : memref<640xf32, #tpu.memory_space<vmem>>, vector<16xf32>,
    %swap3A_279 = vector.shape_cast %swap3A_278 : vector<16xf32> to vector<16xf32>
    %swap3A_280 = vector.shape_cast %broadcast_in_dim3A_276 : vector<16xf32> to vector<16xf32>
    tpu.vector_store %arg6[%swap3A_277], %swap3A_280 {strides = array<i32>} : memref<640xf32, #tpu.memory_space<vmem>>, vector<16xf32>,
    %broadcast_in_dim3A_281 = arith.constant 0.000000e+00 : f32
    %broadcast_in_dim3A_282 = vector.broadcast %broadcast_in_dim3A_281 : f32 to vector<16xf32>
    %swap3A_283 = arith.constant 624 : index
    %swap3A_284 = tpu.vector_load %arg6[%swap3A_283] {strides = array<i32>} : memref<640xf32, #tpu.memory_space<vmem>>, vector<16xf32>,
    %swap3A_285 = vector.shape_cast %swap3A_284 : vector<16xf32> to vector<16xf32>
    %swap3A_286 = vector.shape_cast %broadcast_in_dim3A_282 : vector<16xf32> to vector<16xf32>
    tpu.vector_store %arg6[%swap3A_283], %swap3A_286 {strides = array<i32>} : memref<640xf32, #tpu.memory_space<vmem>>, vector<16xf32>,
    %mul3A_287 = arith.constant 624 : i32
    %mul3A_288 = arith.muli %arg1, %mul3A_287 : i32
    "tpu.region"() ({
      %run_scoped3A = tpu.sem_alloc : memref<!tpu.dma_semaphore, #tpu.memory_space<semaphore_mem>>
      %dma_start3A = arith.constant 0 : i32
      %dma_start3A_324 = tpu.memref_slice %arg6[%dma_start3A] : memref<640xf32, #tpu.memory_space<vmem>> -> memref<624xf32, #tpu.memory_space<vmem>>
      %dma_start3A_325 = tpu.memref_slice %arg7[%mul3A_288] : memref<10000xf32, #tpu.memory_space<vmem_shared>> -> memref<624xf32, #tpu.memory_space<vmem_shared>>
      %dma_start3A_326 = tpu.memref_slice %arg7[%mul3A_288] : memref<10000xf32, #tpu.memory_space<vmem_shared>> -> memref<624xf32, #tpu.memory_space<vmem_shared>>
      %dma_start3A_327 = arith.constant 0 : i32
      %dma_start3A_328 = tpu.memref_slice %arg6[%dma_start3A_327] : memref<640xf32, #tpu.memory_space<vmem>> -> memref<624xf32, #tpu.memory_space<vmem>>
      tpu.enqueue_dma source(%dma_start3A_328 : memref<624xf32, #tpu.memory_space<vmem>>) target(%dma_start3A_326 : memref<624xf32, #tpu.memory_space<vmem_shared>>) target_semaphore(%run_scoped3A : memref<!tpu.dma_semaphore, #tpu.memory_space<semaphore_mem>>)
      %dma_wait3A_329 = arith.constant 0 : i32
      %dma_wait3A_330 = tpu.memref_slice %arg6[%dma_wait3A_329] : memref<640xf32, #tpu.memory_space<vmem>> -> memref<624xf32, #tpu.memory_space<vmem>>
      %dma_wait3A_331 = tpu.memref_slice %arg7[%mul3A_288] : memref<10000xf32, #tpu.memory_space<vmem_shared>> -> memref<624xf32, #tpu.memory_space<vmem_shared>>
      %dma_wait3A_332 = tpu.memref_slice %arg7[%mul3A_288] : memref<10000xf32, #tpu.memory_space<vmem_shared>> -> memref<624xf32, #tpu.memory_space<vmem_shared>>
      %dma_wait3A_333 = arith.constant 0 : i32
      %dma_wait3A_334 = tpu.memref_slice %arg6[%dma_wait3A_333] : memref<640xf32, #tpu.memory_space<vmem>> -> memref<624xf32, #tpu.memory_space<vmem>>
      tpu.wait_dma2 semaphore(%run_scoped3A : memref<!tpu.dma_semaphore, #tpu.memory_space<semaphore_mem>>) src(%dma_wait3A_334 : memref<624xf32, #tpu.memory_space<vmem>>) dst(%dma_wait3A_332 : memref<624xf32, #tpu.memory_space<vmem_shared>>)
      tpu.yield
    }) : () -> ()
    %eq3A = arith.constant 15 : i32
    %eq3A_289 = arith.cmpi eq, %arg1, %eq3A : i32
    %convert_element_type3A = arith.extui %eq3A_289 : i1 to i32
    %cond3A = arith.constant 0 : i32
    %cond3A_290 = arith.cmpi ne, %convert_element_type3A, %cond3A : i32
    scf.if %cond3A_290 {
      "tpu.region"() ({
        %run_scoped3A = tpu.sem_alloc : memref<!tpu.dma_semaphore, #tpu.memory_space<semaphore_mem>>
        %dma_start3A = arith.constant 624 : i32
        %dma_start3A_324 = tpu.memref_slice %arg6[%dma_start3A] : memref<640xf32, #tpu.memory_space<vmem>> -> memref<16xf32, #tpu.memory_space<vmem>>
        %dma_start3A_325 = arith.constant 9984 : i32
        %dma_start3A_326 = tpu.memref_slice %arg7[%dma_start3A_325] : memref<10000xf32, #tpu.memory_space<vmem_shared>> -> memref<16xf32, #tpu.memory_space<vmem_shared>>
        %dma_start3A_327 = arith.constant 9984 : i32
        %dma_start3A_328 = tpu.memref_slice %arg7[%dma_start3A_327] : memref<10000xf32, #tpu.memory_space<vmem_shared>> -> memref<16xf32, #tpu.memory_space<vmem_shared>>
        %dma_start3A_329 = arith.constant 624 : i32
        %dma_start3A_330 = tpu.memref_slice %arg6[%dma_start3A_329] : memref<640xf32, #tpu.memory_space<vmem>> -> memref<16xf32, #tpu.memory_space<vmem>>
        tpu.enqueue_dma source(%dma_start3A_330 : memref<16xf32, #tpu.memory_space<vmem>>) target(%dma_start3A_328 : memref<16xf32, #tpu.memory_space<vmem_shared>>) target_semaphore(%run_scoped3A : memref<!tpu.dma_semaphore, #tpu.memory_space<semaphore_mem>>)
        %dma_wait3A_331 = arith.constant 624 : i32
        %dma_wait3A_332 = tpu.memref_slice %arg6[%dma_wait3A_331] : memref<640xf32, #tpu.memory_space<vmem>> -> memref<16xf32, #tpu.memory_space<vmem>>
        %dma_wait3A_333 = arith.constant 9984 : i32
        %dma_wait3A_334 = tpu.memref_slice %arg7[%dma_wait3A_333] : memref<10000xf32, #tpu.memory_space<vmem_shared>> -> memref<16xf32, #tpu.memory_space<vmem_shared>>
        %dma_wait3A_335 = arith.constant 9984 : i32
        %dma_wait3A_336 = tpu.memref_slice %arg7[%dma_wait3A_335] : memref<10000xf32, #tpu.memory_space<vmem_shared>> -> memref<16xf32, #tpu.memory_space<vmem_shared>>
        %dma_wait3A_337 = arith.constant 624 : i32
        %dma_wait3A_338 = tpu.memref_slice %arg6[%dma_wait3A_337] : memref<640xf32, #tpu.memory_space<vmem>> -> memref<16xf32, #tpu.memory_space<vmem>>
        tpu.wait_dma2 semaphore(%run_scoped3A : memref<!tpu.dma_semaphore, #tpu.memory_space<semaphore_mem>>) src(%dma_wait3A_338 : memref<16xf32, #tpu.memory_space<vmem>>) dst(%dma_wait3A_336 : memref<16xf32, #tpu.memory_space<vmem_shared>>)
        tpu.yield
      }) : () -> ()
    } else {
    }
    "tpu.region"() ({
      %run_scoped3A = tpu.sem_alloc : memref<!tpu.dma_semaphore, #tpu.memory_space<semaphore_mem>>
      %dma_start3A = arith.constant 0 : i32
      %dma_start3A_324 = arith.constant 0 : i32
      %dma_start3A_325 = tpu.memref_slice %arg2[%add3A, %dma_start3A, %dma_start3A_324] : memref<32x80x125xi32, #tpu.memory_space<hbm>> -> memref<1x80x125xi32, #tpu.memory_space<hbm>>
      %dma_start3A_326 = tpu.memref_squeeze %dma_start3A_325 : memref<1x80x125xi32, #tpu.memory_space<hbm>> -> memref<80x125xi32, #tpu.memory_space<hbm>>
      %dma_start3A_327 = arith.constant 0 : i32
      %dma_start3A_328 = arith.constant 0 : i32
      %dma_start3A_329 = tpu.memref_slice %arg2[%add3A, %dma_start3A_327, %dma_start3A_328] : memref<32x80x125xi32, #tpu.memory_space<hbm>> -> memref<1x80x125xi32, #tpu.memory_space<hbm>>
      %dma_start3A_330 = tpu.memref_squeeze %dma_start3A_329 : memref<1x80x125xi32, #tpu.memory_space<hbm>> -> memref<80x125xi32, #tpu.memory_space<hbm>>
      tpu.enqueue_dma source(%dma_start3A_330 : memref<80x125xi32, #tpu.memory_space<hbm>>) target(%arg4 : memref<80x125xi32, #tpu.memory_space<vmem>>) target_semaphore(%run_scoped3A : memref<!tpu.dma_semaphore, #tpu.memory_space<semaphore_mem>>)
      %dma_wait3A_331 = arith.constant 0 : i32
      %dma_wait3A_332 = arith.constant 0 : i32
      %dma_wait3A_333 = tpu.memref_slice %arg2[%add3A, %dma_wait3A_331, %dma_wait3A_332] : memref<32x80x125xi32, #tpu.memory_space<hbm>> -> memref<1x80x125xi32, #tpu.memory_space<hbm>>
      %dma_wait3A_334 = tpu.memref_squeeze %dma_wait3A_333 : memref<1x80x125xi32, #tpu.memory_space<hbm>> -> memref<80x125xi32, #tpu.memory_space<hbm>>
      %dma_wait3A_335 = arith.constant 0 : i32
      %dma_wait3A_336 = arith.constant 0 : i32
      %dma_wait3A_337 = tpu.memref_slice %arg2[%add3A, %dma_wait3A_335, %dma_wait3A_336] : memref<32x80x125xi32, #tpu.memory_space<hbm>> -> memref<1x80x125xi32, #tpu.memory_space<hbm>>
      %dma_wait3A_338 = tpu.memref_squeeze %dma_wait3A_337 : memref<1x80x125xi32, #tpu.memory_space<hbm>> -> memref<80x125xi32, #tpu.memory_space<hbm>>
      tpu.wait_dma2 semaphore(%run_scoped3A : memref<!tpu.dma_semaphore, #tpu.memory_space<semaphore_mem>>) src(%dma_wait3A_338 : memref<80x125xi32, #tpu.memory_space<hbm>>) dst(%arg4 : memref<80x125xi32, #tpu.memory_space<vmem>>)
      tpu.yield
    }) : () -> ()
    %barrier3A = arith.constant 0 : index
    tpu.barrier barrier_id(%barrier3A)
    %scan3A = arith.constant 0 : i32
    %scan3A_291 = arith.constant 0 : i32
    %scan3A_292 = arith.constant 40 : i32
    %scan3A_293 = arith.addi %scan3A_291, %scan3A_292 : i32
    %scan3A_294 = arith.constant 1 : i32
    scf.for %scan3A_324 = %scan3A_291 to %scan3A_293 step %scan3A_294  : i32 {
      %mul3A_325 = arith.constant 2 : i32
      %mul3A_326 = arith.muli %scan3A_324, %mul3A_325 : i32
      %add3A_327 = arith.constant 0 : i32
      %add3A_328 = arith.addi %mul3A_326, %add3A_327 : i32
      %ge3A = arith.constant 2 : i32
      %ge3A_329 = arith.cmpi sge, %add3A_328, %ge3A : i32
      %convert_element_type3A_330 = arith.extui %ge3A_329 : i1 to i32
      %cond3A_331 = arith.constant 0 : i32
      %cond3A_332 = arith.cmpi ne, %convert_element_type3A_330, %cond3A_331 : i32
      scf.if %cond3A_332 {
        %dma_wait3A_355 = arith.constant 0 : i32
        %dma_wait3A_356 = tpu.memref_slice %arg5[%dma_wait3A_355] : memref<128xf32, #tpu.memory_space<vmem>> -> memref<125xf32, #tpu.memory_space<vmem>>
        %dma_wait3A_357 = arith.constant 0 : i32
        %dma_wait3A_358 = tpu.memref_slice %arg3[%dma_wait3A_357] : memref<20000xf32, #tpu.memory_space<hbm>> -> memref<125xf32, #tpu.memory_space<hbm>>
        %dma_wait3A_359 = arith.constant 0 : i32
        %dma_wait3A_360 = tpu.memref_slice %arg5[%dma_wait3A_359] : memref<128xf32, #tpu.memory_space<vmem>> -> memref<125xf32, #tpu.memory_space<vmem>>
        %dma_wait3A_361 = arith.constant 0 : i32
        %dma_wait3A_362 = tpu.memref_slice %arg3[%dma_wait3A_361] : memref<20000xf32, #tpu.memory_space<hbm>> -> memref<125xf32, #tpu.memory_space<hbm>>
        tpu.wait_dma2 semaphore(%arg8 : memref<!tpu.dma_semaphore, #tpu.memory_space<semaphore_mem>>) src(%dma_wait3A_362 : memref<125xf32, #tpu.memory_space<hbm>>) dst(%dma_wait3A_360 : memref<125xf32, #tpu.memory_space<vmem>>)
      } else {
      }
      %dma_start3A = arith.constant 0 : i32
      %dma_start3A_333 = tpu.memref_slice %arg5[%dma_start3A] : memref<128xf32, #tpu.memory_space<vmem>> -> memref<125xf32, #tpu.memory_space<vmem>>
      %dma_start3A_334 = arith.constant 0 : i32
      %dma_start3A_335 = tpu.memref_slice %arg4[%add3A_328, %dma_start3A_334] : memref<80x125xi32, #tpu.memory_space<vmem>> -> memref<1x125xi32, #tpu.memory_space<vmem>>
      %dma_start3A_336 = tpu.memref_squeeze %dma_start3A_335 : memref<1x125xi32, #tpu.memory_space<vmem>> -> memref<125xi32, #tpu.memory_space<vmem>>
      %dma_start3A_337 = arith.constant 0 : i32
      %dma_start3A_338 = tpu.memref_slice %arg7[%dma_start3A_337] : memref<10000xf32, #tpu.memory_space<vmem_shared>> -> memref<10000xf32, #tpu.memory_space<vmem_shared>>
      tpu.enqueue_indirect_dma source(%dma_start3A_333 : memref<125xf32, #tpu.memory_space<vmem>>) target(%dma_start3A_338 : memref<10000xf32, #tpu.memory_space<vmem_shared>>) offsets(%dma_start3A_336 : memref<125xi32, #tpu.memory_space<vmem>>) semaphore(%arg8 : memref<!tpu.dma_semaphore, #tpu.memory_space<semaphore_mem>>) {add = true}
      %mul3A_339 = arith.constant 2 : i32
      %mul3A_340 = arith.muli %scan3A_324, %mul3A_339 : i32
      %add3A_341 = arith.constant 1 : i32
      %add3A_342 = arith.addi %mul3A_340, %add3A_341 : i32
      %ge3A_343 = arith.constant 2 : i32
      %ge3A_344 = arith.cmpi sge, %add3A_342, %ge3A_343 : i32
      %convert_element_type3A_345 = arith.extui %ge3A_344 : i1 to i32
      %cond3A_346 = arith.constant 0 : i32
      %cond3A_347 = arith.cmpi ne, %convert_element_type3A_345, %cond3A_346 : i32
      scf.if %cond3A_347 {
        %dma_wait3A_355 = arith.constant 0 : i32
        %dma_wait3A_356 = tpu.memref_slice %arg5[%dma_wait3A_355] : memref<128xf32, #tpu.memory_space<vmem>> -> memref<125xf32, #tpu.memory_space<vmem>>
        %dma_wait3A_357 = arith.constant 0 : i32
        %dma_wait3A_358 = tpu.memref_slice %arg3[%dma_wait3A_357] : memref<20000xf32, #tpu.memory_space<hbm>> -> memref<125xf32, #tpu.memory_space<hbm>>
        %dma_wait3A_359 = arith.constant 0 : i32
        %dma_wait3A_360 = tpu.memref_slice %arg5[%dma_wait3A_359] : memref<128xf32, #tpu.memory_space<vmem>> -> memref<125xf32, #tpu.memory_space<vmem>>
        %dma_wait3A_361 = arith.constant 0 : i32
        %dma_wait3A_362 = tpu.memref_slice %arg3[%dma_wait3A_361] : memref<20000xf32, #tpu.memory_space<hbm>> -> memref<125xf32, #tpu.memory_space<hbm>>
        tpu.wait_dma2 semaphore(%arg9 : memref<!tpu.dma_semaphore, #tpu.memory_space<semaphore_mem>>) src(%dma_wait3A_362 : memref<125xf32, #tpu.memory_space<hbm>>) dst(%dma_wait3A_360 : memref<125xf32, #tpu.memory_space<vmem>>)
      } else {
      }
      %dma_start3A_348 = arith.constant 0 : i32
      %dma_start3A_349 = tpu.memref_slice %arg5[%dma_start3A_348] : memref<128xf32, #tpu.memory_space<vmem>> -> memref<125xf32, #tpu.memory_space<vmem>>
      %dma_start3A_350 = arith.constant 0 : i32
      %dma_start3A_351 = tpu.memref_slice %arg4[%add3A_342, %dma_start3A_350] : memref<80x125xi32, #tpu.memory_space<vmem>> -> memref<1x125xi32, #tpu.memory_space<vmem>>
      %dma_start3A_352 = tpu.memref_squeeze %dma_start3A_351 : memref<1x125xi32, #tpu.memory_space<vmem>> -> memref<125xi32, #tpu.memory_space<vmem>>
      %dma_start3A_353 = arith.constant 0 : i32
      %dma_start3A_354 = tpu.memref_slice %arg7[%dma_start3A_353] : memref<10000xf32, #tpu.memory_space<vmem_shared>> -> memref<10000xf32, #tpu.memory_space<vmem_shared>>
      tpu.enqueue_indirect_dma source(%dma_start3A_349 : memref<125xf32, #tpu.memory_space<vmem>>) target(%dma_start3A_354 : memref<10000xf32, #tpu.memory_space<vmem_shared>>) offsets(%dma_start3A_352 : memref<125xi32, #tpu.memory_space<vmem>>) semaphore(%arg9 : memref<!tpu.dma_semaphore, #tpu.memory_space<semaphore_mem>>) {add = true}
    }
    %scan3A_295 = arith.constant 40 : i32
    %dma_wait3A = arith.constant 0 : i32
    %dma_wait3A_296 = tpu.memref_slice %arg5[%dma_wait3A] : memref<128xf32, #tpu.memory_space<vmem>> -> memref<125xf32, #tpu.memory_space<vmem>>
    %dma_wait3A_297 = arith.constant 0 : i32
    %dma_wait3A_298 = tpu.memref_slice %arg3[%dma_wait3A_297] : memref<20000xf32, #tpu.memory_space<hbm>> -> memref<125xf32, #tpu.memory_space<hbm>>
    %dma_wait3A_299 = arith.constant 0 : i32
    %dma_wait3A_300 = tpu.memref_slice %arg5[%dma_wait3A_299] : memref<128xf32, #tpu.memory_space<vmem>> -> memref<125xf32, #tpu.memory_space<vmem>>
    %dma_wait3A_301 = arith.constant 0 : i32
    %dma_wait3A_302 = tpu.memref_slice %arg3[%dma_wait3A_301] : memref<20000xf32, #tpu.memory_space<hbm>> -> memref<125xf32, #tpu.memory_space<hbm>>
    tpu.wait_dma2 semaphore(%arg8 : memref<!tpu.dma_semaphore, #tpu.memory_space<semaphore_mem>>) src(%dma_wait3A_302 : memref<125xf32, #tpu.memory_space<hbm>>) dst(%dma_wait3A_300 : memref<125xf32, #tpu.memory_space<vmem>>)
    %dma_wait3A_303 = arith.constant 0 : i32
    %dma_wait3A_304 = tpu.memref_slice %arg5[%dma_wait3A_303] : memref<128xf32, #tpu.memory_space<vmem>> -> memref<125xf32, #tpu.memory_space<vmem>>
    %dma_wait3A_305 = arith.constant 0 : i32
    %dma_wait3A_306 = tpu.memref_slice %arg3[%dma_wait3A_305] : memref<20000xf32, #tpu.memory_space<hbm>> -> memref<125xf32, #tpu.memory_space<hbm>>
    %dma_wait3A_307 = arith.constant 0 : i32
    %dma_wait3A_308 = tpu.memref_slice %arg5[%dma_wait3A_307] : memref<128xf32, #tpu.memory_space<vmem>> -> memref<125xf32, #tpu.memory_space<vmem>>
    %dma_wait3A_309 = arith.constant 0 : i32
    %dma_wait3A_310 = tpu.memref_slice %arg3[%dma_wait3A_309] : memref<20000xf32, #tpu.memory_space<hbm>> -> memref<125xf32, #tpu.memory_space<hbm>>
    tpu.wait_dma2 semaphore(%arg9 : memref<!tpu.dma_semaphore, #tpu.memory_space<semaphore_mem>>) src(%dma_wait3A_310 : memref<125xf32, #tpu.memory_space<hbm>>) dst(%dma_wait3A_308 : memref<125xf32, #tpu.memory_space<vmem>>)
    %barrier3A_311 = arith.constant 0 : index
    tpu.barrier barrier_id(%barrier3A_311)
    %mul3A_312 = arith.constant 624 : i32
    %mul3A_313 = arith.muli %arg1, %mul3A_312 : i32
    "tpu.region"() ({
      %run_scoped3A = tpu.sem_alloc : memref<!tpu.dma_semaphore, #tpu.memory_space<semaphore_mem>>
      %dma_start3A = arith.constant 0 : i32
      %dma_start3A_324 = tpu.memref_slice %arg6[%dma_start3A] : memref<640xf32, #tpu.memory_space<vmem>> -> memref<624xf32, #tpu.memory_space<vmem>>
      %dma_start3A_325 = tpu.memref_slice %arg7[%mul3A_313] : memref<10000xf32, #tpu.memory_space<vmem_shared>> -> memref<624xf32, #tpu.memory_space<vmem_shared>>
      %dma_start3A_326 = arith.constant 0 : i32
      %dma_start3A_327 = tpu.memref_slice %arg6[%dma_start3A_326] : memref<640xf32, #tpu.memory_space<vmem>> -> memref<624xf32, #tpu.memory_space<vmem>>
      %dma_start3A_328 = tpu.memref_slice %arg7[%mul3A_313] : memref<10000xf32, #tpu.memory_space<vmem_shared>> -> memref<624xf32, #tpu.memory_space<vmem_shared>>
      tpu.enqueue_dma source(%dma_start3A_328 : memref<624xf32, #tpu.memory_space<vmem_shared>>) target(%dma_start3A_327 : memref<624xf32, #tpu.memory_space<vmem>>) target_semaphore(%run_scoped3A : memref<!tpu.dma_semaphore, #tpu.memory_space<semaphore_mem>>)
      %dma_wait3A_329 = arith.constant 0 : i32
      %dma_wait3A_330 = tpu.memref_slice %arg6[%dma_wait3A_329] : memref<640xf32, #tpu.memory_space<vmem>> -> memref<624xf32, #tpu.memory_space<vmem>>
      %dma_wait3A_331 = tpu.memref_slice %arg7[%mul3A_313] : memref<10000xf32, #tpu.memory_space<vmem_shared>> -> memref<624xf32, #tpu.memory_space<vmem_shared>>
      %dma_wait3A_332 = arith.constant 0 : i32
      %dma_wait3A_333 = tpu.memref_slice %arg6[%dma_wait3A_332] : memref<640xf32, #tpu.memory_space<vmem>> -> memref<624xf32, #tpu.memory_space<vmem>>
      %dma_wait3A_334 = tpu.memref_slice %arg7[%mul3A_313] : memref<10000xf32, #tpu.memory_space<vmem_shared>> -> memref<624xf32, #tpu.memory_space<vmem_shared>>
      tpu.wait_dma2 semaphore(%run_scoped3A : memref<!tpu.dma_semaphore, #tpu.memory_space<semaphore_mem>>) src(%dma_wait3A_334 : memref<624xf32, #tpu.memory_space<vmem_shared>>) dst(%dma_wait3A_333 : memref<624xf32, #tpu.memory_space<vmem>>)
      tpu.yield
    }) : () -> ()
    %mul3A_314 = arith.constant 10000 : i32
    %mul3A_315 = arith.muli %arg0, %mul3A_314 : i32
    %mul3A_316 = arith.constant 624 : i32
    %mul3A_317 = arith.muli %arg1, %mul3A_316 : i32
    %add3A_318 = arith.addi %mul3A_315, %mul3A_317 : i32
    "tpu.region"() ({
      %run_scoped3A = tpu.sem_alloc : memref<!tpu.dma_semaphore, #tpu.memory_space<semaphore_mem>>
      %dma_start3A = arith.constant 0 : i32
      %dma_start3A_324 = tpu.memref_slice %arg6[%dma_start3A] : memref<640xf32, #tpu.memory_space<vmem>> -> memref<624xf32, #tpu.memory_space<vmem>>
      %dma_start3A_325 = tpu.memref_slice %arg3[%add3A_318] : memref<20000xf32, #tpu.memory_space<hbm>> -> memref<624xf32, #tpu.memory_space<hbm>>
      %dma_start3A_326 = tpu.memref_slice %arg3[%add3A_318] : memref<20000xf32, #tpu.memory_space<hbm>> -> memref<624xf32, #tpu.memory_space<hbm>>
      %dma_start3A_327 = arith.constant 0 : i32
      %dma_start3A_328 = tpu.memref_slice %arg6[%dma_start3A_327] : memref<640xf32, #tpu.memory_space<vmem>> -> memref<624xf32, #tpu.memory_space<vmem>>
      tpu.enqueue_dma source(%dma_start3A_328 : memref<624xf32, #tpu.memory_space<vmem>>) target(%dma_start3A_326 : memref<624xf32, #tpu.memory_space<hbm>>) target_semaphore(%run_scoped3A : memref<!tpu.dma_semaphore, #tpu.memory_space<semaphore_mem>>)
      %dma_wait3A_329 = arith.constant 0 : i32
      %dma_wait3A_330 = tpu.memref_slice %arg6[%dma_wait3A_329] : memref<640xf32, #tpu.memory_space<vmem>> -> memref<624xf32, #tpu.memory_space<vmem>>
      %dma_wait3A_331 = tpu.memref_slice %arg3[%add3A_318] : memref<20000xf32, #tpu.memory_space<hbm>> -> memref<624xf32, #tpu.memory_space<hbm>>
      %dma_wait3A_332 = tpu.memref_slice %arg3[%add3A_318] : memref<20000xf32, #tpu.memory_space<hbm>> -> memref<624xf32, #tpu.memory_space<hbm>>
      %dma_wait3A_333 = arith.constant 0 : i32
      %dma_wait3A_334 = tpu.memref_slice %arg6[%dma_wait3A_333] : memref<640xf32, #tpu.memory_space<vmem>> -> memref<624xf32, #tpu.memory_space<vmem>>
      tpu.wait_dma2 semaphore(%run_scoped3A : memref<!tpu.dma_semaphore, #tpu.memory_space<semaphore_mem>>) src(%dma_wait3A_334 : memref<624xf32, #tpu.memory_space<vmem>>) dst(%dma_wait3A_332 : memref<624xf32, #tpu.memory_space<hbm>>)
      tpu.yield
    }) : () -> ()
    %eq3A_319 = arith.constant 15 : i32
    %eq3A_320 = arith.cmpi eq, %arg1, %eq3A_319 : i32
    %convert_element_type3A_321 = arith.extui %eq3A_320 : i1 to i32
    %cond3A_322 = arith.constant 0 : i32
    %cond3A_323 = arith.cmpi ne, %convert_element_type3A_321, %cond3A_322 : i32
    scf.if %cond3A_323 {
      "tpu.region"() ({
        %run_scoped3A = tpu.sem_alloc : memref<!tpu.dma_semaphore, #tpu.memory_space<semaphore_mem>>
        %dma_start3A = arith.constant 624 : i32
        %dma_start3A_328 = tpu.memref_slice %arg6[%dma_start3A] : memref<640xf32, #tpu.memory_space<vmem>> -> memref<16xf32, #tpu.memory_space<vmem>>
        %dma_start3A_329 = arith.constant 9984 : i32
        %dma_start3A_330 = tpu.memref_slice %arg7[%dma_start3A_329] : memref<10000xf32, #tpu.memory_space<vmem_shared>> -> memref<16xf32, #tpu.memory_space<vmem_shared>>
        %dma_start3A_331 = arith.constant 624 : i32
        %dma_start3A_332 = tpu.memref_slice %arg6[%dma_start3A_331] : memref<640xf32, #tpu.memory_space<vmem>> -> memref<16xf32, #tpu.memory_space<vmem>>
        %dma_start3A_333 = arith.constant 9984 : i32
        %dma_start3A_334 = tpu.memref_slice %arg7[%dma_start3A_333] : memref<10000xf32, #tpu.memory_space<vmem_shared>> -> memref<16xf32, #tpu.memory_space<vmem_shared>>
        tpu.enqueue_dma source(%dma_start3A_334 : memref<16xf32, #tpu.memory_space<vmem_shared>>) target(%dma_start3A_332 : memref<16xf32, #tpu.memory_space<vmem>>) target_semaphore(%run_scoped3A : memref<!tpu.dma_semaphore, #tpu.memory_space<semaphore_mem>>)
        %dma_wait3A_335 = arith.constant 624 : i32
        %dma_wait3A_336 = tpu.memref_slice %arg6[%dma_wait3A_335] : memref<640xf32, #tpu.memory_space<vmem>> -> memref<16xf32, #tpu.memory_space<vmem>>
        %dma_wait3A_337 = arith.constant 9984 : i32
        %dma_wait3A_338 = tpu.memref_slice %arg7[%dma_wait3A_337] : memref<10000xf32, #tpu.memory_space<vmem_shared>> -> memref<16xf32, #tpu.memory_space<vmem_shared>>
        %dma_wait3A_339 = arith.constant 624 : i32
        %dma_wait3A_340 = tpu.memref_slice %arg6[%dma_wait3A_339] : memref<640xf32, #tpu.memory_space<vmem>> -> memref<16xf32, #tpu.memory_space<vmem>>
        %dma_wait3A_341 = arith.constant 9984 : i32
        %dma_wait3A_342 = tpu.memref_slice %arg7[%dma_wait3A_341] : memref<10000xf32, #tpu.memory_space<vmem_shared>> -> memref<16xf32, #tpu.memory_space<vmem_shared>>
        tpu.wait_dma2 semaphore(%run_scoped3A : memref<!tpu.dma_semaphore, #tpu.memory_space<semaphore_mem>>) src(%dma_wait3A_342 : memref<16xf32, #tpu.memory_space<vmem_shared>>) dst(%dma_wait3A_340 : memref<16xf32, #tpu.memory_space<vmem>>)
        tpu.yield
      }) : () -> ()
      %mul3A_324 = arith.constant 10000 : i32
      %mul3A_325 = arith.muli %arg0, %mul3A_324 : i32
      %add3A_326 = arith.constant 9984 : i32
      %add3A_327 = arith.addi %mul3A_325, %add3A_326 : i32
      "tpu.region"() ({
        %run_scoped3A = tpu.sem_alloc : memref<!tpu.dma_semaphore, #tpu.memory_space<semaphore_mem>>
        %dma_start3A = arith.constant 624 : i32
        %dma_start3A_328 = tpu.memref_slice %arg6[%dma_start3A] : memref<640xf32, #tpu.memory_space<vmem>> -> memref<16xf32, #tpu.memory_space<vmem>>
        %dma_start3A_329 = tpu.memref_slice %arg3[%add3A_327] : memref<20000xf32, #tpu.memory_space<hbm>> -> memref<16xf32, #tpu.memory_space<hbm>>
        %dma_start3A_330 = tpu.memref_slice %arg3[%add3A_327] : memref<20000xf32, #tpu.memory_space<hbm>> -> memref<16xf32, #tpu.memory_space<hbm>>
        %dma_start3A_331 = arith.constant 624 : i32
        %dma_start3A_332 = tpu.memref_slice %arg6[%dma_start3A_331] : memref<640xf32, #tpu.memory_space<vmem>> -> memref<16xf32, #tpu.memory_space<vmem>>
        tpu.enqueue_dma source(%dma_start3A_332 : memref<16xf32, #tpu.memory_space<vmem>>) target(%dma_start3A_330 : memref<16xf32, #tpu.memory_space<hbm>>) target_semaphore(%run_scoped3A : memref<!tpu.dma_semaphore, #tpu.memory_space<semaphore_mem>>)
        %dma_wait3A_333 = arith.constant 624 : i32
        %dma_wait3A_334 = tpu.memref_slice %arg6[%dma_wait3A_333] : memref<640xf32, #tpu.memory_space<vmem>> -> memref<16xf32, #tpu.memory_space<vmem>>
        %dma_wait3A_335 = tpu.memref_slice %arg3[%add3A_327] : memref<20000xf32, #tpu.memory_space<hbm>> -> memref<16xf32, #tpu.memory_space<hbm>>
        %dma_wait3A_336 = tpu.memref_slice %arg3[%add3A_327] : memref<20000xf32, #tpu.memory_space<hbm>> -> memref<16xf32, #tpu.memory_space<hbm>>
        %dma_wait3A_337 = arith.constant 624 : i32
        %dma_wait3A_338 = tpu.memref_slice %arg6[%dma_wait3A_337] : memref<640xf32, #tpu.memory_space<vmem>> -> memref<16xf32, #tpu.memory_space<vmem>>
        tpu.wait_dma2 semaphore(%run_scoped3A : memref<!tpu.dma_semaphore, #tpu.memory_space<semaphore_mem>>) src(%dma_wait3A_338 : memref<16xf32, #tpu.memory_space<vmem>>) dst(%dma_wait3A_336 : memref<16xf32, #tpu.memory_space<hbm>>)
        tpu.yield
      }) : () -> ()
    } else {
    }
    return
  }
}

module attributes {stable_mosaic.version = 14 : i64} {
  func.func @_mm_body(%arg0: memref<10000x128xf32, #tpu.memory_space<vmem>>, %arg1: memref<128x128xf32, #tpu.memory_space<vmem>>, %arg2: memref<1x128xf32, #tpu.memory_space<vmem>>, %arg3: memref<2x10000x1xf32, #tpu.memory_space<vmem>>, %arg4: memref<10000x128xf32, #tpu.memory_space<vmem>>) attributes {dimension_semantics = [], scalar_prefetch = 0 : i64, scratch_operands = 0 : i64, tpu.core_type = #tpu.core_type<tc>} {
    %get3A = arith.constant 0 : index
    %get3A_0 = arith.constant 0 : index
    %get3A_1 = vector.load %arg0[%get3A, %get3A_0] : memref<10000x128xf32, #tpu.memory_space<vmem>>, vector<10000x128xf32>
    %get3A_2 = arith.constant 0 : index
    %get3A_3 = arith.constant 0 : index
    %get3A_4 = vector.load %arg1[%get3A_2, %get3A_3] : memref<128x128xf32, #tpu.memory_space<vmem>>, vector<128x128xf32>
    %dot_general3A = arith.constant dense<0.000000e+00> : vector<10000x128xf32>
    %dot_general3A_5 = tpu.matmul %get3A_1, %get3A_4, %dot_general3A {dimension_numbers = #tpu.dot_dimension_numbers<[1], [0], [0], [1], [0, 0, 1, 1], [], []>, transpose_lhs_hint = false} : vector<10000x128xf32>, vector<128x128xf32>, vector<10000x128xf32> -> vector<10000x128xf32>
    %get3A_6 = arith.constant 0 : index
    %get3A_7 = arith.constant 0 : index
    %get3A_8 = vector.load %arg2[%get3A_6, %get3A_7] : memref<1x128xf32, #tpu.memory_space<vmem>>, vector<1x128xf32>
    %add3A = vector.broadcast %get3A_8 : vector<1x128xf32> to vector<10000x128xf32>
    %add3A_9 = arith.addf %dot_general3A_5, %add3A : vector<10000x128xf32>
    %get3A_10 = arith.constant 0 : index
    %get3A_11 = arith.constant 0 : index
    %get3A_12 = arith.constant 0 : index
    %get3A_13 = vector.load %arg3[%get3A_10, %get3A_11, %get3A_12] : memref<2x10000x1xf32, #tpu.memory_space<vmem>>, vector<2x10000x1xf32>
    %slice3A = vector.extract_strided_slice %get3A_13 {offsets = [0, 0, 0], sizes = [1, 10000, 1], strides = [1, 1, 1]} : vector<2x10000x1xf32> to vector<1x10000x1xf32>
    %squeeze3A = vector.shape_cast %slice3A : vector<1x10000x1xf32> to vector<10000x1xf32>
    %slice3A_14 = vector.extract_strided_slice %get3A_13 {offsets = [1, 0, 0], sizes = [1, 10000, 1], strides = [1, 1, 1]} : vector<2x10000x1xf32> to vector<1x10000x1xf32>
    %squeeze3A_15 = vector.shape_cast %slice3A_14 : vector<1x10000x1xf32> to vector<10000x1xf32>
    %add3A_16 = arith.addf %squeeze3A, %squeeze3A_15 : vector<10000x1xf32>
    %add3A_17 = arith.constant 1.000000e+00 : f32
    %add3A_18 = vector.broadcast %add3A_17 : f32 to vector<10000x1xf32>
    %add3A_19 = arith.addf %add3A_16, %add3A_18 : vector<10000x1xf32>
    %rsqrt3A = math.rsqrt %add3A_19 : vector<10000x1xf32>
    %mul3A = vector.broadcast %rsqrt3A : vector<10000x1xf32> to vector<10000x128xf32>
    %mul3A_20 = arith.mulf %add3A_9, %mul3A : vector<10000x128xf32>
    %swap3A = arith.constant 0 : index
    %swap3A_21 = arith.constant 0 : index
    %swap3A_22 = vector.load %arg4[%swap3A, %swap3A_21] : memref<10000x128xf32, #tpu.memory_space<vmem>>, vector<10000x128xf32>
    tpu.vector_store %arg4[%swap3A, %swap3A_21], %mul3A_20 {strides = array<i32>} : memref<10000x128xf32, #tpu.memory_space<vmem>>, vector<10000x128xf32>,
    return
  }
}

module attributes {stable_mosaic.version = 14 : i64} {
  func.func @_final_body(%arg0: memref<2x10000x128xf32, #tpu.memory_space<vmem>>, %arg1: memref<10000x128xf32, #tpu.memory_space<vmem>>, %arg2: memref<2x10000x1xf32, #tpu.memory_space<vmem>>, %arg3: memref<10000x128xf32, #tpu.memory_space<vmem>>) attributes {dimension_semantics = [], scalar_prefetch = 0 : i64, scratch_operands = 0 : i64, tpu.core_type = #tpu.core_type<tc>} {
    %get3A = arith.constant 0 : index
    %get3A_0 = arith.constant 0 : index
    %get3A_1 = arith.constant 0 : index
    %get3A_2 = vector.load %arg2[%get3A, %get3A_0, %get3A_1] : memref<2x10000x1xf32, #tpu.memory_space<vmem>>, vector<2x10000x1xf32>
    %slice3A = vector.extract_strided_slice %get3A_2 {offsets = [0, 0, 0], sizes = [1, 10000, 1], strides = [1, 1, 1]} : vector<2x10000x1xf32> to vector<1x10000x1xf32>
    %squeeze3A = vector.shape_cast %slice3A : vector<1x10000x1xf32> to vector<10000x1xf32>
    %slice3A_3 = vector.extract_strided_slice %get3A_2 {offsets = [1, 0, 0], sizes = [1, 10000, 1], strides = [1, 1, 1]} : vector<2x10000x1xf32> to vector<1x10000x1xf32>
    %squeeze3A_4 = vector.shape_cast %slice3A_3 : vector<1x10000x1xf32> to vector<10000x1xf32>
    %add3A = arith.addf %squeeze3A, %squeeze3A_4 : vector<10000x1xf32>
    %add3A_5 = arith.constant 1.000000e+00 : f32
    %add3A_6 = vector.broadcast %add3A_5 : f32 to vector<10000x1xf32>
    %add3A_7 = arith.addf %add3A, %add3A_6 : vector<10000x1xf32>
    %rsqrt3A = math.rsqrt %add3A_7 : vector<10000x1xf32>
    %get3A_8 = arith.constant 0 : index
    %get3A_9 = arith.constant 0 : index
    %get3A_10 = arith.constant 0 : index
    %get3A_11 = vector.load %arg0[%get3A_8, %get3A_9, %get3A_10] : memref<2x10000x128xf32, #tpu.memory_space<vmem>>, vector<2x10000x128xf32>
    %slice3A_12 = vector.extract_strided_slice %get3A_11 {offsets = [0, 0, 0], sizes = [1, 10000, 128], strides = [1, 1, 1]} : vector<2x10000x128xf32> to vector<1x10000x128xf32>
    %squeeze3A_13 = vector.shape_cast %slice3A_12 : vector<1x10000x128xf32> to vector<10000x128xf32>
    %slice3A_14 = vector.extract_strided_slice %get3A_11 {offsets = [1, 0, 0], sizes = [1, 10000, 128], strides = [1, 1, 1]} : vector<2x10000x128xf32> to vector<1x10000x128xf32>
    %squeeze3A_15 = vector.shape_cast %slice3A_14 : vector<1x10000x128xf32> to vector<10000x128xf32>
    %add3A_16 = arith.addf %squeeze3A_13, %squeeze3A_15 : vector<10000x128xf32>
    %get3A_17 = arith.constant 0 : index
    %get3A_18 = arith.constant 0 : index
    %get3A_19 = vector.load %arg1[%get3A_17, %get3A_18] : memref<10000x128xf32, #tpu.memory_space<vmem>>, vector<10000x128xf32>
    %add3A_20 = arith.addf %add3A_16, %get3A_19 : vector<10000x128xf32>
    %mul3A = vector.broadcast %rsqrt3A : vector<10000x1xf32> to vector<10000x128xf32>
    %mul3A_21 = arith.mulf %add3A_20, %mul3A : vector<10000x128xf32>
    %max3A = arith.constant 0.000000e+00 : f32
    %max3A_22 = vector.broadcast %max3A : f32 to vector<10000x128xf32>
    %max3A_23 = arith.maximumf %mul3A_21, %max3A_22 : vector<10000x128xf32>
    %swap3A = arith.constant 0 : index
    %swap3A_24 = arith.constant 0 : index
    %swap3A_25 = vector.load %arg3[%swap3A, %swap3A_24] : memref<10000x128xf32, #tpu.memory_space<vmem>>, vector<10000x128xf32>
    tpu.vector_store %arg3[%swap3A, %swap3A_24], %max3A_23 {strides = array<i32>} : memref<10000x128xf32, #tpu.memory_space<vmem>>, vector<10000x128xf32>,
    return
  }
}

</mosaic_0001>

<sc_bundles>
// kernel: kernel.6.cloned.1.call-start
scs
__scs_entry_jumppad:
0x0: {  	(pc) =	sbr.rel $0x88, $3  }
0x1: {  	(tag) =	ssettag $0x0;
	lr =	simm.s32 $0x1  }
0x2: {  	[smem:$0x3F9D] =	sst lr;
	_ =	strace $0xD0000000  }
0x3: {  	_ = 	snop  }
0x4: {  	_ = 	snop  }
0x5: {  	_ = 	snop  }
0x6: {  	_ = 	snop  }
0x7: {  	_ = 	snop  }
__scs_overlays_trampoline_lowered:
0x8: {  	[smem:$0x3FAC] =	sst s0  }
0x9: {  	[smem:$0x3FAD] =	sst s1  }
0xa: {  	[smem:$0x3FAE] =	sst s2  }
0xb: {  	[smem:$0x3FAF] =	sst s3  }
0xc: {  	[smem:$0x3FB0] =	sst s4  }
0xd: {  	[smem:$0x3FB1] =	sst s5  }
0xe: {  	[smem:$0x3FB2] =	sst s6  }
0xf: {  	[smem:$0x3FB3] =	sst s7  }
0x10: {  	[smem:$0x3FB4] =	sst s8  }
0x11: {  	[smem:$0x3FB5] =	sst s9;
	s0 =	simm.s32 @!p0 $0x0  }
0x12: {  	s1 =	sld [smem:$0x3F9B];
	s0 =	simm.s32 @p0 $0x1  }
0x13: {  	[smem:$0x3FB6] =	sst s0;
	s0 =	simm.s32 @!p1 $0x0  }
0x14: {  	s2 =	sld [smem:$0x3F9A];
	s0 =	simm.s32 @p1 $0x1  }
0x15: {  	[smem:$0x3FB7] =	sst s0;
	s0 =	simm.s32 @!p2 $0x0  }
0x16: {  	s3 =	sld [smem:$0x3FDB];
	s0 =	simm.s32 @p2 $0x1  }
0x17: {  	s4 =	simm.s32 $0x1BF5;
	[smem:$0x3FB9] =	sst s0  }
0x18: {  	s0 =	sld [smem:$0x3F9C];
	_ =	swait.ge [sflag:s4], $0x0  }
0x19: {  	s7 =	sld [smem:$0x3F9D]  }
0x1a: {  	s8 =	sadd.s32 $0xFFFFE003, lr  }
0x1b: {  	s9 =	sadd.s32 $0xFFFFFEF7, lr;
	s5 =	simm.s32 $0xFFFFFFFF;
	p2 =	slt.u32 s8, $0xFFFFF086  }
0x1c: {  	p1 =	slt.u32 s9, $0xF7A;
	s5 =	simm.s32 @!p2 $0x0  }
0x1d: {  	s5 =	simm.s32 @p1 $0x1;
	p0 =	seq.s32 s7, s2  }
0x1e: {  	s7 =	smul.u32 @!p0 $0xF7A, s2;
	p2 =	seq.s32 @!p0 s5, $0x0  }
0x1f: {  	s9 =	smul.u32 $0xF7A, s1;
	s8 =	simm.s32 @!p0 $0x1BF5;
	p2 =	por !p2, p0  }
0x20: {  	[sflag:s8] =	ssyncset.s32 @!p0 $0xFFFFF086;
	s6 =	sadd.s32 @!p0 s3, s7;
	s7 =	simm.s32 @!p0 $0x108  }
0x21: {  	s3 =	sadd.s32 s3, s9;
	s6 =	sadd.s32 @!p0 $0x88, s6;
	s7 =	simm.s32 @p2 $0x1082  }
0x22: {  	[simem:s7], [sflag:s8] =	dma.local @!p0 [hbm:s6], $0xF7A  }
0x23: {  	s9 =	sor.u32 $0xD0000000, s2;
	s6 =	simm.s32 $0x108;
	_ =	swait.ge @!p0 [sflag:s8], $0x0  }
0x24: {  	s3 =	sadd.s32 $0x88, s3;
	s6 =	simm.s32 @!p1 $0x1082;
	[sflag:s4] =	ssyncset.s32 $0xFFFFF086  }
0x25: {  	[simem:s6], [sflag:s4] =	dma.local [hbm:s3], $0xF7A  }
0x26: {  	[smem:$0x3F9D] =	sst s1;
	(tag) =	ssettag s2;
	_ =	strace s9  }
0x27: {  	s1 =	sld [smem:$0x3FAD]  }
0x28: {  	s2 =	sld [smem:$0x3FAE]  }
0x29: {  	s4 =	sld [smem:$0x3FB0]  }
0x2a: {  	p0 =	seq.s32 s5, $0x0;
	s5 =	sld [smem:$0x3FB1]  }
0x2b: {  	s6 =	sld [smem:$0x3FB2]  }
0x2c: {  	s7 =	sld [smem:$0x3FB3]  }
0x2d: {  	s3 =	simm.s32 $0x108;
	s8 =	sld [smem:$0x3FB4]  }
0x2e: {  	s3 =	simm.s32 @!p0 $0x1082;
	s9 =	sld [smem:$0x3FB5]  }
0x2f: {  	lr =	sadd.s32 s0, s3;
	s0 =	sld [smem:$0x3FAC]  }
0x30: {  	s3 =	sld [smem:$0x3FAF]  }
0x31: {  	[smem:$0x3FB8] =	sst s10  }
0x32: {  	s10 =	sld [smem:$0x3FB6];
	_ =	sdelay $0x3  }
0x33: {  	p0 =	seq.s32 s10, $0x1;
	s10 =	sld [smem:$0x3FB8];
	_ =	sdelay $0x3  }
0x34: {  	[smem:$0x3FB8] =	sst s10  }
0x35: {  	s10 =	sld [smem:$0x3FB7];
	_ =	sdelay $0x3  }
0x36: {  	p1 =	seq.s32 s10, $0x1;
	s10 =	sld [smem:$0x3FB8];
	_ =	sdelay $0x3  }
0x37: {  	[smem:$0x3FB8] =	sst s10  }
0x38: {  	s10 =	sld [smem:$0x3FB9]  }
0x39: {  	_ = 	snop;
	(pc) =	sbr.ind lr, $3  }
0x3a: {  	_ = 	snop  }
0x3b: {  	_ = 	snop  }
0x3c: {  	p2 =	seq.s32 s10, $0x1;
	s10 =	sld [smem:$0x3FB8]  }
0x3d: {  	_ =	shalt  }
0x3e: {  	_ =	shalt  }
0x3f: {  	_ =	shalt  }
0x40: {  	_ =	shalt  }
0x41: {  	_ =	shalt  }
0x42: {  	_ =	shalt  }
0x43: {  	_ =	shalt  }
0x44: {  	_ =	shalt  }
0x45: {  	_ =	shalt  }
0x46: {  	_ =	shalt  }
0x47: {  	_ =	shalt  }
0x48: {  	_ =	shalt  }
0x49: {  	_ =	shalt  }
0x4a: {  	_ =	shalt  }
0x4b: {  	_ =	shalt  }
0x4c: {  	_ =	shalt  }
0x4d: {  	_ =	shalt  }
0x4e: {  	_ =	shalt  }
0x4f: {  	_ =	shalt  }
0x50: {  	_ =	shalt  }
0x51: {  	_ =	shalt  }
0x52: {  	_ =	shalt  }
0x53: {  	_ =	shalt  }
0x54: {  	_ =	shalt  }
0x55: {  	_ =	shalt  }
0x56: {  	_ =	shalt  }
0x57: {  	_ =	shalt  }
0x58: {  	_ =	shalt  }
0x59: {  	_ =	shalt  }
0x5a: {  	_ =	shalt  }
0x5b: {  	_ =	shalt  }
0x5c: {  	_ =	shalt  }
0x5d: {  	_ =	shalt  }
0x5e: {  	_ =	shalt  }
0x5f: {  	_ =	shalt  }
0x60: {  	_ =	shalt  }
0x61: {  	_ =	shalt  }
0x62: {  	_ =	shalt  }
0x63: {  	_ =	shalt  }
0x64: {  	_ =	shalt  }
0x65: {  	_ =	shalt  }
0x66: {  	_ =	shalt  }
0x67: {  	_ =	shalt  }
0x68: {  	_ =	shalt  }
0x69: {  	_ =	shalt  }
0x6a: {  	_ =	shalt  }
0x6b: {  	_ =	shalt  }
0x6c: {  	_ =	shalt  }
0x6d: {  	_ =	shalt  }
0x6e: {  	_ =	shalt  }
0x6f: {  	_ =	shalt  }
0x70: {  	_ =	shalt  }
0x71: {  	_ =	shalt  }
0x72: {  	_ =	shalt  }
0x73: {  	_ =	shalt  }
0x74: {  	_ =	shalt  }
0x75: {  	_ =	shalt  }
0x76: {  	_ =	shalt  }
0x77: {  	_ =	shalt  }
0x78: {  	_ =	shalt  }
0x79: {  	_ =	shalt  }
0x7a: {  	_ =	shalt  }
0x7b: {  	_ =	shalt  }
0x7c: {  	_ =	shalt  }
0x7d: {  	_ =	shalt  }
0x7e: {  	_ =	shalt  }
0x7f: {  	_ =	shalt  }
0x80: {  	_ =	shalt  }
0x81: {  	_ =	shalt  }
0x82: {  	_ =	shalt  }
0x83: {  	_ =	shalt  }
0x84: {  	_ =	shalt  }
0x85: {  	_ =	shalt  }
0x86: {  	_ =	shalt  }
0x87: {  	_ =	shalt  }
.Lfunc_end0:
.L_simem_size_0:
called_computation_lowered:
.L_overlay_start_0:
0x88: {  	s2 =	sld [smem:$0x3FD9]  }
0x89: {  	s3 =	sld [smem:$0x3FFE];
	_ =	sdelay $0x1  }
0x8a: {  	s1 =	srdreg.scid  }
0x8b: {  	s0 =	sand.u32 $0x1, s1  }
0x8c: {  	s17 =	sshll.u32 s0, $0xA;
	s2 =	sadd.s32 s3, s2  }
0x8d: {  	s2 =	sadd.s32 s2, s17  }
0x8e: {  	[smem:$0x3FC4] =	sst s2  }
0x8f: {  	_ = 	snop  }
0x90: {  	s2 =	sld [smem:$0x3FD0];
	(tm) =	ssettm $0x1  }
0x91: {  	s18 =	sld [smem:$0x3FFB];
	_ =	sdelay $0x3  }
0x92: {  	_ =	strace s18  }
0x93: {  	s3 =	sld [smem:$0x3FFC];
	_ =	sdelay $0x3  }
0x94: {  	_ =	strace s3  }
0x95: {  	s3 =	sld [smem:$0x3FFD];
	_ =	sdelay $0x3  }
0x96: {  	_ =	strace s3  }
0x97: {  	_ =	strace $0x8FFFFFFF  }
0x98: {  	s19 =	sld [smem:$0x3FDB];
	_ =	sdelay $0x1  }
0x99: {  	s4 =	simm.s32 $_scs_section_size  }
0x9a: {  	s5 =	simm.s32 $_size__tile_overlayer_lowered;
	s6 =	simm.s32 $_tile_overlayer_lowered  }
0x9b: {  	s22 =	simm.s32 $0x1BFF;
	s21 =	sshll.u32 s6, $0x1;
	s3 =	sadd.s32 s4, s19  }
0x9c: {  	s7 =	simm.s32 $0x0;
	s20 =	sshll.u32 s5, $0x1;
	s5 =	sadd.s32 s21, s3  }
0x9d: {  	[timem:s7], [sflag:s22] =	dma.local [hbm:s5], s20  }
0x9e: {  	_ =	swait.ge [sflag:s22], s20  }
0x9f: {  	s4 =	ssub.s32 $0x0, s20;
	[sflag:s22] =	ssyncset.done $0x0  }
0xa0: {  	[sflag:s22] =	ssyncadd.s32 s4;
	_ =	sdelay $0x1  }
0xa1: {  	s23 =	simm.s32 $0x1B8B  }
0xa2: {  	_ =	swait.ge [sflag:s23], $0x1  }
0xa3: {  	[sflag:s23] =	ssyncset.done $0x0  }
0xa4: {  	s25 =	simm.s32 $0x1B8E;
	s24 =	sld [smem:$0x3FFE];
	[sflag:s23] =	ssyncadd.s32 $0xFFFFFFFF  }
0xa5: {  	s26 =	simm.s32 $execute0_lowered;
	[smem:$0x3FD2] =	sst s25  }
0xa6: {  	s5 =	sshll.u32 s26, $0x1;
	_ =	strace $0x80000046;
	[dreg:$0x1] =	wrdreg $0xFFFFFFFF  }
0xa7: {  	s28 =	simm.s32 $_size_execute0_lowered;
	s3 =	sadd.s32 s3, s5;
	[dreg:$0x0] =	wrdreg $0x0  }
0xa8: {  	s5 =	sshll.u32 s28, $0x1;
	[dreg:$0x2] =	wrdreg s3  }
0xa9: {  	[dreg:$0x3] =	wrdreg s5  }
0xaa: {  	[dreg:$0x4] =	wrdreg $0xC0  }
0xab: {  	_ =	task [dreg:s7], $0x5FFFF  }
0xac: {  	[dreg:$0x1] =	wrdreg $0xFFFFFFFF  }
0xad: {  	[dreg:$0x0] =	wrdreg $0x60  }
0xae: {  	[dreg:$0x2] =	wrdreg s2  }
0xaf: {  	[dreg:$0x3] =	wrdreg s24  }
0xb0: {  	[dreg:$0x4] =	wrdreg $0x2B000  }
0xb1: {  	[dreg:$0x5] =	wrdreg $0x9  }
0xb2: {  	_ =	task.clear_ibuf [dreg:s7], $0x6FFFF;
	_ =	strace $0x90000046  }
0xb3: {  	s29 =	simm.s32 $0x9;
	_ =	strace $0x80000048  }
0xb4: {  	_ =	swait.ge [sflag:s29], $0x1  }
0xb5: {  	[sflag:s29] =	ssyncadd.s32 $0xFFFFFFFF  }
0xb6: {  	_ =	strace $0x90000048  }
0xb7: {  	_ =	sfence  }
0xb8: {  	s30 =	sld [smem:$0x0];
	_ =	sdelay $0x2  }
0xb9: {  	s31 =	sshll.u32 s1, $0xD;
	s1 =	sshrl.u32 s1, $0x2  }
0xba: {  	s3 =	sand.u32 $0x4000, s31;
	s1 =	sadd.s32 s1, s30  }
0xbb: {  	s0 =	sor.u32 s3, s0;
	s1 =	sshll.u32 s1, $0x11  }
0xbc: {  	s0 =	sor.u32 s1, s0  }
0xbd: {  	s0 =	sadd.s32 $0x8F2B, s0  }
0xbe: {  	[sflag:s0] =	ssyncadd.remote.s32 $0x1  }
0xbf: {  	_ =	sfence.sel $0xFFFF  }
0xc0: {  	[dreg:$0x0] =	wrdreg $0xFFFFFFFF;
	(pc) =	sbr.abs _section_cstart, $3  }
0xc1: {  	[dreg:$0x1] =	wrdreg $0xFFFFFFFF  }
0xc2: {  	_ =	task.clear_ibuf [dreg:s7], $0x2FFFF;
	_ =	strace $0x9FFFFFFF  }
0xc3: {  	(tm) =	ssettm $0x7FFFFFFF  }
tec
execute0_lowered:
.L_overlay_start_1:
0x0: {  	(tag) =	ssettag $0x1  }
0x1: {  	s6 =	rddreg [dreg:$0x0]  }
0x2: {  	s3 =	rddreg [dreg:$0x1]  }
0x3: {  	s1 =	rddreg [dreg:$0x2]  }
0x4: {  	s0 =	rddreg [dreg:$0x3];
	s2 =	simm.s32 $0x0  }
0x5: {  	s4 =	srdreg.scid;
	s12 =	simm.s32 $0x7D;
	s13 =	simm.s32 $0x2800  }
0x6: {  	s14 =	simm.s32 $0x80;
	s15 =	simm.s32 $0x1;
	s16 =	simm.s32 $0x2  }
0x7: {  	s17 =	simm.s32 $0x0;
	[smem:$0x7FF] =	sst s2;
	s7 =	sadd.s32 $0x1400, s3  }
0x8: {  	s3 =	stileid.u32;
	s4 =	sand.u32 $0x1, s4;
	_ =	strace $0x80000047  }
0x9: {  	s5 =	ssub.s32 $0x2, s4;
	s8 =	sshll.u32 s4, $0x4;
	s9 =	smul.u32 $0x270, s3  }
0xa: {  	s11 =	smul.u32 $0x2710, s4;
	p0 =	sne.s32 s3, $0xF;
	s10 =	sshrl.u32 s5, $0x1  }
0xb: {  	s8 =	sor.u32 s3, s8;
	s10 =	ssub.s32 s5, s10;
	s4 =	sadd.s32 s9, s1  }
0xc: {  	s8 =	smul.u32 $0x500, s8;
	s9 =	sadd.s32 s9, s11;
	s11 =	sshrl.u32 s11, $0x3  }
0xd: {  	s5 =	sadd.s32 $0x2700, s1;
	s30 =	sshrl.u32 s9, $0x3;
	s31 =	sadd.s32 s7, s11  }
0xe: {  	s9 =	smax.u32 s10, $0x1;
	s10 =	simm.s32 $0x2880;
	s11 =	simm.s32 $0x3  }
0xf: {  	v0 =	vimm.f32 $1.000000000e+00;
	v1 =	vimm.f32 $0.0e+00;
	s6 =	sadd.s32 s6, s8;
	s7 =	sadd.s32 s7, s30;
	s8 =	sadd.s32 $0x4E0, s31  }
.LBB2_1:
0x10: {  	[tilespmem:$0x2800] =	vst v0  }
0x11: {  	[tilespmem:$0x2810] =	vst v0  }
0x12: {  	[tilespmem:$0x2820] =	vst v0  }
0x13: {  	[tilespmem:$0x2830] =	vst v0  }
0x14: {  	[tilespmem:$0x2840] =	vst v0  }
0x15: {  	[tilespmem:$0x2850] =	vst v0  }
0x16: {  	[tilespmem:$0x2860] =	vst v0  }
0x17: {  	[tilespmem:$0x2870] =	vst v0  }
0x18: {  	[tilespmem:$0x2880] =	vst v1  }
0x19: {  	[tilespmem:$0x2890] =	vst v1  }
0x1a: {  	[tilespmem:$0x28A0] =	vst v1  }
0x1b: {  	[tilespmem:$0x28B0] =	vst v1  }
0x1c: {  	[tilespmem:$0x28C0] =	vst v1  }
0x1d: {  	[tilespmem:$0x28D0] =	vst v1  }
0x1e: {  	[tilespmem:$0x28E0] =	vst v1  }
0x1f: {  	[tilespmem:$0x28F0] =	vst v1  }
0x20: {  	[tilespmem:$0x2900] =	vst v1  }
0x21: {  	[tilespmem:$0x2910] =	vst v1  }
0x22: {  	[tilespmem:$0x2920] =	vst v1  }
0x23: {  	[tilespmem:$0x2930] =	vst v1  }
0x24: {  	[tilespmem:$0x2940] =	vst v1  }
0x25: {  	[tilespmem:$0x2950] =	vst v1  }
0x26: {  	[tilespmem:$0x2960] =	vst v1  }
0x27: {  	[tilespmem:$0x2970] =	vst v1  }
0x28: {  	[tilespmem:$0x2980] =	vst v1  }
0x29: {  	[tilespmem:$0x2990] =	vst v1  }
0x2a: {  	[tilespmem:$0x29A0] =	vst v1  }
0x2b: {  	[tilespmem:$0x29B0] =	vst v1  }
0x2c: {  	[tilespmem:$0x29C0] =	vst v1  }
0x2d: {  	[tilespmem:$0x29D0] =	vst v1  }
0x2e: {  	[tilespmem:$0x29E0] =	vst v1  }
0x2f: {  	[tilespmem:$0x29F0] =	vst v1  }
0x30: {  	[tilespmem:$0x2A00] =	vst v1  }
0x31: {  	[tilespmem:$0x2A10] =	vst v1  }
0x32: {  	[tilespmem:$0x2A20] =	vst v1  }
0x33: {  	[tilespmem:$0x2A30] =	vst v1  }
0x34: {  	[tilespmem:$0x2A40] =	vst v1  }
0x35: {  	[tilespmem:$0x2A50] =	vst v1  }
0x36: {  	[tilespmem:$0x2A60] =	vst v1  }
0x37: {  	[tilespmem:$0x2A70] =	vst v1  }
0x38: {  	[tilespmem:$0x2A80] =	vst v1  }
0x39: {  	[tilespmem:$0x2A90] =	vst v1  }
0x3a: {  	[tilespmem:$0x2AA0] =	vst v1  }
0x3b: {  	[tilespmem:$0x2AB0] =	vst v1  }
0x3c: {  	[tilespmem:$0x2AC0] =	vst v1  }
0x3d: {  	[tilespmem:$0x2AD0] =	vst v1  }
0x3e: {  	[tilespmem:$0x2AE0] =	vst v1  }
0x3f: {  	[tilespmem:$0x2AF0] =	vst v1  }
0x40: {  	[spmem:s4] =	stream.linear.scatter [tilespmem:s10], [sflag:$0x3], $0x270, $0x38;
	[tilespmem:$0x2D78] =	vst v63  }
0x41: {  	_ =	swait.ge [sflag:s11], $0x270  }
0x42: {  	[sflag:s11] =	ssyncset.done $0x0  }
0x43: {  	s18 =	simm.s32 @!p0 $0x2AF0;
	[sflag:s11] =	ssyncadd.s32 $0xFFFFFD90  }
0x44: {  	[spmem:s5] =	stream.linear.scatter @!p0 [tilespmem:s18], [sflag:$0x3], $0x10, $0x38;
	[tilespmem:$0x2D78] =	vst v63  }
0x45: {  	s18 =	simm.s32 @!p0 $0x3  }
0x46: {  	_ =	swait.ge @!p0 [sflag:s18], $0x10  }
0x47: {  	[sflag:s18] =	ssyncset.done @!p0 $0x0  }
0x48: {  	[sflag:s18] =	ssyncadd.s32 @!p0 $0xFFFFFFF0  }
0x49: {  	[tilespmem:s2], [sflag:$0x3] =	stream.linear.gather [hbm4b:s6+s2], $0x2800, $0x38;
	[tilespmem:$0x2D78] =	vst v63  }
0x4a: {  	_ =	swait.ge [sflag:s11], $0x2800  }
0x4b: {  	[sflag:s11] =	ssyncset.done $0x0  }
0x4c: {  	[sflag:s11] =	ssyncadd.s32 $0xFFFFD800  }
0x4d: {  	[bflag:$0x0] =	sbarrier.arrive $0xFFFF  }
0x4e: {  	[spmem:s1] =	stream.indirect.scatter.add.f32 [tilespmem:s13], [sflag:$0x1], $0x1, s2, s12, $0xb8;
	[tilespmem:$0x2D78] =	vst v63  }
0x4f: {  	_ = 	snop  }
0x50: {  	[spmem:s1] =	stream.indirect.scatter.add.f32 [tilespmem:s13], [sflag:$0x2], $0x1, s14, s12, $0xb8;
	[tilespmem:$0x2D78] =	vst v63  }
0x51: {  	_ =	swait.ge [sflag:s15], $0x7D  }
0x52: {  	[sflag:s15] =	ssyncset.done $0x0  }
0x53: {  	s31 =	simm.s32 $0x100;
	[sflag:s15] =	ssyncadd.s32 $0xFFFFFF83  }
0x54: {  	[spmem:s1] =	stream.indirect.scatter.add.f32 [tilespmem:s13], [sflag:$0x1], $0x1, s31, s12, $0xb8;
	[tilespmem:$0x2D78] =	vst v63  }
0x55: {  	_ =	swait.ge [sflag:s16], $0x7D  }
0x56: {  	[sflag:s16] =	ssyncset.done $0x0  }
0x57: {  	s19 =	simm.s32 $0x180;
	s18 =	simm.s32 $0xFFFF6800;
	[sflag:s16] =	ssyncadd.s32 $0xFFFFFF83  }
.LBB2_2:
0x58: {  	[spmem:s1] =	stream.indirect.scatter.add.f32 [tilespmem:s13], [sflag:$0x2], $0x1, s19, s12, $0xb8;
	[tilespmem:$0x2D78] =	vst v63  }
0x59: {  	s19 =	smov.u32 s18  }
0x5a: {  	p1 =	sne.s32 s18, $0xFFFFFC00;
	s18 =	sadd.s32 $0x400, s18;
	_ =	swait.ge [sflag:s15], $0x7D  }
0x5b: {  	s19 =	sshra.s32 s19, $0x2;
	[sflag:s15] =	ssyncset.done $0x0  }
.Ltmp0:
0x5c: {  	s20 =	sadd.s32 $0x2800, s19;
	[sflag:s15] =	ssyncadd.s32 $0xFFFFFF83;
	(pc) =	sbr.rel @p1 .LBB2_2-.Ltmp0, $4  }
0x5d: {  	[spmem:s1] =	stream.indirect.scatter.add.f32 [tilespmem:s13], [sflag:$0x1], $0x1, s20, s12, $0xb8;
	[tilespmem:$0x2D78] =	vst v63  }
0x5e: {  	_ =	swait.ge [sflag:s16], $0x7D  }
0x5f: {  	[sflag:s16] =	ssyncset.done $0x0  }
0x60: {  	s19 =	sadd.s32 $0x2880, s19;
	[sflag:s16] =	ssyncadd.s32 $0xFFFFFF83  }
0x61: {  	[spmem:s1] =	stream.indirect.scatter.add.f32 [tilespmem:s13], [sflag:$0x2], $0x1, s19, s12, $0xb8;
	[tilespmem:$0x2D78] =	vst v63  }
0x62: {  	_ =	swait.ge [sflag:s15], $0x7D  }
0x63: {  	[sflag:s15] =	ssyncset.done $0x0  }
0x64: {  	[sflag:s15] =	ssyncadd.s32 $0xFFFFFF83  }
0x65: {  	_ =	swait.ge [sflag:s16], $0x7D  }
0x66: {  	[sflag:s16] =	ssyncset.done $0x0  }
0x67: {  	[sflag:s16] =	ssyncadd.s32 $0xFFFFFF83  }
0x68: {  	[bflag:$0x0] =	sbarrier.arrive $0xFFFF  }
0x69: {  	[tilespmem:s10], [sflag:$0x3] =	stream.linear.gather [spmem:s4], $0x270, $0x38;
	[tilespmem:$0x2D78] =	vst v63  }
0x6a: {  	_ =	swait.ge [sflag:s11], $0x270  }
0x6b: {  	[sflag:s11] =	ssyncset.done $0x0  }
0x6c: {  	[sflag:s11] =	ssyncadd.s32 $0xFFFFFD90  }
0x6d: {  	[hbm4b:s7+s2] =	stream.linear.scatter [tilespmem:s10], [sflag:$0x3], $0x270, $0x38;
	[tilespmem:$0x2D78] =	vst v63  }
0x6e: {  	_ =	swait.ge [sflag:s11], $0x270  }
0x6f: {  	[sflag:s11] =	ssyncset.done $0x0  }
0x70: {  	s18 =	simm.s32 @!p0 $0x2AF0;
	s19 =	simm.s32 @!p0 $0x3;
	[sflag:s11] =	ssyncadd.s32 $0xFFFFFD90  }
0x71: {  	[tilespmem:s18], [sflag:$0x3] =	stream.linear.gather @!p0 [spmem:s5], $0x10, $0x38;
	[tilespmem:$0x2D78] =	vst v63  }
0x72: {  	s17 =	sadd.s32 $0x1, s17;
	_ =	swait.ge @!p0 [sflag:s19], $0x10  }
0x73: {  	p1 =	sne.s32 s17, s9;
	[sflag:s19] =	ssyncset.done @!p0 $0x0  }
.Ltmp1:
0x74: {  	s20 =	simm.s32 @!p0 $0x0;
	[sflag:s19] =	ssyncadd.s32 @!p0 $0xFFFFFFF0;
	(pc) =	sbr.rel @p1 .LBB2_1-.Ltmp1, $4  }
0x75: {  	[hbm4b:s8+s20] =	stream.linear.scatter @!p0 [tilespmem:s18], [sflag:$0x3], $0x10, $0x38;
	[tilespmem:$0x2D78] =	vst v63  }
0x76: {  	_ =	swait.ge @!p0 [sflag:s19], $0x10  }
0x77: {  	[sflag:s19] =	ssyncset.done @!p0 $0x0  }
0x78: {  	[sflag:s19] =	ssyncadd.s32 @!p0 $0xFFFFFFF0  }
0x79: {  	_ =	sfence.sel $0x180000  }
0x7a: {  	[bflag:$0x0] =	sbarrier.arrive $0xFFFF  }
0x7b: {  	p0 =	sne.s32 s3, $0x0;
	_ =	strace $0x90000047  }
0x7c: {  	s0 =	sadd.s32 @!p0 $0x100000, s0;
	[bflag:$0x2] =	sbarrier.arrive $0xFFFF  }
0x7d: {  	[sflag:s0] =	ssyncadd.tile.s32 @!p0 $0x1;
	_ =	shalt  }
.Lfunc_end2:
_tile_overlayer_lowered:
.L_overlay_start_2:
0x7e: {  	(tag) =	ssettag $0x2  }
0x7f: {  	s0 =	rddreg [dreg:$0x0];
	s2 =	stileid.u32  }
0x80: {  	s1 =	rddreg [dreg:$0x1];
	p0 =	sne.s32 s2, $0x0  }
0x81: {  	s3 =	rddreg [dreg:$0x2];
	[bflag:$0x3] =	sbarrier.arrive $0xFFFF;
	s2 =	simm.s32 @!p0 $0x1C03  }
0x82: {  	[timem:s3], [sflag:s2] =	dma.local @!p0 [hbm:s0], s1  }
0x83: {  	s0 =	simm.s32 @!p0 $0x3  }
0x84: {  	_ =	swait.ge @!p0 [sflag:s0], s1  }
0x85: {  	s1 =	ssub.s32 @!p0 $0x0, s1;
	[sflag:s0] =	ssyncset.done @!p0 $0x0  }
0x86: {  	[sflag:s0] =	ssyncadd.s32 @!p0 s1  }
0x87: {  	[bflag:$0x3] =	sbarrier.arrive $0xFFFF  }
0x88: {  	_ =	shalt  }

// kernel: kernel.9.cloned.1.call-start
scs
__scs_entry_jumppad:
0x0: {  	(pc) =	sbr.rel $0x88, $3  }
0x1: {  	(tag) =	ssettag $0x0;
	lr =	simm.s32 $0x1  }
0x2: {  	[smem:$0x3F9D] =	sst lr;
	_ =	strace $0xD0000000  }
0x3: {  	_ = 	snop  }
0x4: {  	_ = 	snop  }
0x5: {  	_ = 	snop  }
0x6: {  	_ = 	snop  }
0x7: {  	_ = 	snop  }
__scs_overlays_trampoline_lowered:
0x8: {  	[smem:$0x3FAC] =	sst s0  }
0x9: {  	[smem:$0x3FAD] =	sst s1  }
0xa: {  	[smem:$0x3FAE] =	sst s2  }
0xb: {  	[smem:$0x3FAF] =	sst s3  }
0xc: {  	[smem:$0x3FB0] =	sst s4  }
0xd: {  	[smem:$0x3FB1] =	sst s5  }
0xe: {  	[smem:$0x3FB2] =	sst s6  }
0xf: {  	[smem:$0x3FB3] =	sst s7  }
0x10: {  	[smem:$0x3FB4] =	sst s8  }
0x11: {  	[smem:$0x3FB5] =	sst s9;
	s0 =	simm.s32 @!p0 $0x0  }
0x12: {  	s1 =	sld [smem:$0x3F9B];
	s0 =	simm.s32 @p0 $0x1  }
0x13: {  	[smem:$0x3FB6] =	sst s0;
	s0 =	simm.s32 @!p1 $0x0  }
0x14: {  	s2 =	sld [smem:$0x3F9A];
	s0 =	simm.s32 @p1 $0x1  }
0x15: {  	[smem:$0x3FB7] =	sst s0;
	s0 =	simm.s32 @!p2 $0x0  }
0x16: {  	s3 =	sld [smem:$0x3FDB];
	s0 =	simm.s32 @p2 $0x1  }
0x17: {  	s4 =	simm.s32 $0x1BF5;
	[smem:$0x3FB9] =	sst s0  }
0x18: {  	s0 =	sld [smem:$0x3F9C];
	_ =	swait.ge [sflag:s4], $0x0  }
0x19: {  	s7 =	sld [smem:$0x3F9D]  }
0x1a: {  	s8 =	sadd.s32 $0xFFFFE003, lr  }
0x1b: {  	s9 =	sadd.s32 $0xFFFFFEF7, lr;
	s5 =	simm.s32 $0xFFFFFFFF;
	p2 =	slt.u32 s8, $0xFFFFF086  }
0x1c: {  	p1 =	slt.u32 s9, $0xF7A;
	s5 =	simm.s32 @!p2 $0x0  }
0x1d: {  	s5 =	simm.s32 @p1 $0x1;
	p0 =	seq.s32 s7, s2  }
0x1e: {  	s7 =	smul.u32 @!p0 $0xF7A, s2;
	p2 =	seq.s32 @!p0 s5, $0x0  }
0x1f: {  	s9 =	smul.u32 $0xF7A, s1;
	s8 =	simm.s32 @!p0 $0x1BF5;
	p2 =	por !p2, p0  }
0x20: {  	[sflag:s8] =	ssyncset.s32 @!p0 $0xFFFFF086;
	s6 =	sadd.s32 @!p0 s3, s7;
	s7 =	simm.s32 @!p0 $0x108  }
0x21: {  	s3 =	sadd.s32 s3, s9;
	s6 =	sadd.s32 @!p0 $0x88, s6;
	s7 =	simm.s32 @p2 $0x1082  }
0x22: {  	[simem:s7], [sflag:s8] =	dma.local @!p0 [hbm:s6], $0xF7A  }
0x23: {  	s9 =	sor.u32 $0xD0000000, s2;
	s6 =	simm.s32 $0x108;
	_ =	swait.ge @!p0 [sflag:s8], $0x0  }
0x24: {  	s3 =	sadd.s32 $0x88, s3;
	s6 =	simm.s32 @!p1 $0x1082;
	[sflag:s4] =	ssyncset.s32 $0xFFFFF086  }
0x25: {  	[simem:s6], [sflag:s4] =	dma.local [hbm:s3], $0xF7A  }
0x26: {  	[smem:$0x3F9D] =	sst s1;
	(tag) =	ssettag s2;
	_ =	strace s9  }
0x27: {  	s1 =	sld [smem:$0x3FAD]  }
0x28: {  	s2 =	sld [smem:$0x3FAE]  }
0x29: {  	s4 =	sld [smem:$0x3FB0]  }
0x2a: {  	p0 =	seq.s32 s5, $0x0;
	s5 =	sld [smem:$0x3FB1]  }
0x2b: {  	s6 =	sld [smem:$0x3FB2]  }
0x2c: {  	s7 =	sld [smem:$0x3FB3]  }
0x2d: {  	s3 =	simm.s32 $0x108;
	s8 =	sld [smem:$0x3FB4]  }
0x2e: {  	s3 =	simm.s32 @!p0 $0x1082;
	s9 =	sld [smem:$0x3FB5]  }
0x2f: {  	lr =	sadd.s32 s0, s3;
	s0 =	sld [smem:$0x3FAC]  }
0x30: {  	s3 =	sld [smem:$0x3FAF]  }
0x31: {  	[smem:$0x3FB8] =	sst s10  }
0x32: {  	s10 =	sld [smem:$0x3FB6];
	_ =	sdelay $0x3  }
0x33: {  	p0 =	seq.s32 s10, $0x1;
	s10 =	sld [smem:$0x3FB8];
	_ =	sdelay $0x3  }
0x34: {  	[smem:$0x3FB8] =	sst s10  }
0x35: {  	s10 =	sld [smem:$0x3FB7];
	_ =	sdelay $0x3  }
0x36: {  	p1 =	seq.s32 s10, $0x1;
	s10 =	sld [smem:$0x3FB8];
	_ =	sdelay $0x3  }
0x37: {  	[smem:$0x3FB8] =	sst s10  }
0x38: {  	s10 =	sld [smem:$0x3FB9]  }
0x39: {  	_ = 	snop;
	(pc) =	sbr.ind lr, $3  }
0x3a: {  	_ = 	snop  }
0x3b: {  	_ = 	snop  }
0x3c: {  	p2 =	seq.s32 s10, $0x1;
	s10 =	sld [smem:$0x3FB8]  }
0x3d: {  	_ =	shalt  }
0x3e: {  	_ =	shalt  }
0x3f: {  	_ =	shalt  }
0x40: {  	_ =	shalt  }
0x41: {  	_ =	shalt  }
0x42: {  	_ =	shalt  }
0x43: {  	_ =	shalt  }
0x44: {  	_ =	shalt  }
0x45: {  	_ =	shalt  }
0x46: {  	_ =	shalt  }
0x47: {  	_ =	shalt  }
0x48: {  	_ =	shalt  }
0x49: {  	_ =	shalt  }
0x4a: {  	_ =	shalt  }
0x4b: {  	_ =	shalt  }
0x4c: {  	_ =	shalt  }
0x4d: {  	_ =	shalt  }
0x4e: {  	_ =	shalt  }
0x4f: {  	_ =	shalt  }
0x50: {  	_ =	shalt  }
0x51: {  	_ =	shalt  }
0x52: {  	_ =	shalt  }
0x53: {  	_ =	shalt  }
0x54: {  	_ =	shalt  }
0x55: {  	_ =	shalt  }
0x56: {  	_ =	shalt  }
0x57: {  	_ =	shalt  }
0x58: {  	_ =	shalt  }
0x59: {  	_ =	shalt  }
0x5a: {  	_ =	shalt  }
0x5b: {  	_ =	shalt  }
0x5c: {  	_ =	shalt  }
0x5d: {  	_ =	shalt  }
0x5e: {  	_ =	shalt  }
0x5f: {  	_ =	shalt  }
0x60: {  	_ =	shalt  }
0x61: {  	_ =	shalt  }
0x62: {  	_ =	shalt  }
0x63: {  	_ =	shalt  }
0x64: {  	_ =	shalt  }
0x65: {  	_ =	shalt  }
0x66: {  	_ =	shalt  }
0x67: {  	_ =	shalt  }
0x68: {  	_ =	shalt  }
0x69: {  	_ =	shalt  }
0x6a: {  	_ =	shalt  }
0x6b: {  	_ =	shalt  }
0x6c: {  	_ =	shalt  }
0x6d: {  	_ =	shalt  }
0x6e: {  	_ =	shalt  }
0x6f: {  	_ =	shalt  }
0x70: {  	_ =	shalt  }
0x71: {  	_ =	shalt  }
0x72: {  	_ =	shalt  }
0x73: {  	_ =	shalt  }
0x74: {  	_ =	shalt  }
0x75: {  	_ =	shalt  }
0x76: {  	_ =	shalt  }
0x77: {  	_ =	shalt  }
0x78: {  	_ =	shalt  }
0x79: {  	_ =	shalt  }
0x7a: {  	_ =	shalt  }
0x7b: {  	_ =	shalt  }
0x7c: {  	_ =	shalt  }
0x7d: {  	_ =	shalt  }
0x7e: {  	_ =	shalt  }
0x7f: {  	_ =	shalt  }
0x80: {  	_ =	shalt  }
0x81: {  	_ =	shalt  }
0x82: {  	_ =	shalt  }
0x83: {  	_ =	shalt  }
0x84: {  	_ =	shalt  }
0x85: {  	_ =	shalt  }
0x86: {  	_ =	shalt  }
0x87: {  	_ =	shalt  }
.Lfunc_end0:
.L_simem_size_0:
called_computation.1_lowered:
.L_overlay_start_0:
0x88: {  	s2 =	sld [smem:$0x3FD9]  }
0x89: {  	s3 =	sld [smem:$0x3FFE];
	_ =	sdelay $0x1  }
0x8a: {  	s1 =	srdreg.scid  }
0x8b: {  	s0 =	sand.u32 $0x1, s1  }
0x8c: {  	s17 =	sshll.u32 s0, $0xA;
	s2 =	sadd.s32 s3, s2  }
0x8d: {  	s2 =	sadd.s32 s2, s17  }
0x8e: {  	[smem:$0x3FC4] =	sst s2  }
0x8f: {  	_ = 	snop  }
0x90: {  	s2 =	sld [smem:$0x3FD0];
	(tm) =	ssettm $0x1  }
0x91: {  	s18 =	sld [smem:$0x3FFB];
	_ =	sdelay $0x3  }
0x92: {  	_ =	strace s18  }
0x93: {  	s3 =	sld [smem:$0x3FFC];
	_ =	sdelay $0x3  }
0x94: {  	_ =	strace s3  }
0x95: {  	s3 =	sld [smem:$0x3FFD];
	_ =	sdelay $0x3  }
0x96: {  	_ =	strace s3  }
0x97: {  	_ =	strace $0x8FFFFFFF  }
0x98: {  	s19 =	sld [smem:$0x3FDB];
	_ =	sdelay $0x1  }
0x99: {  	s4 =	simm.s32 $_scs_section_size  }
0x9a: {  	s5 =	simm.s32 $_size__tile_overlayer_lowered;
	s6 =	simm.s32 $_tile_overlayer_lowered  }
0x9b: {  	s22 =	simm.s32 $0x1BFF;
	s21 =	sshll.u32 s6, $0x1;
	s3 =	sadd.s32 s4, s19  }
0x9c: {  	s7 =	simm.s32 $0x0;
	s20 =	sshll.u32 s5, $0x1;
	s5 =	sadd.s32 s21, s3  }
0x9d: {  	[timem:s7], [sflag:s22] =	dma.local [hbm:s5], s20  }
0x9e: {  	_ =	swait.ge [sflag:s22], s20  }
0x9f: {  	s4 =	ssub.s32 $0x0, s20;
	[sflag:s22] =	ssyncset.done $0x0  }
0xa0: {  	[sflag:s22] =	ssyncadd.s32 s4;
	_ =	sdelay $0x1  }
0xa1: {  	s23 =	simm.s32 $0x1B8B  }
0xa2: {  	_ =	swait.ge [sflag:s23], $0x1  }
0xa3: {  	[sflag:s23] =	ssyncset.done $0x0  }
0xa4: {  	s25 =	simm.s32 $0x1B8E;
	s24 =	sld [smem:$0x3FFE];
	[sflag:s23] =	ssyncadd.s32 $0xFFFFFFFF  }
0xa5: {  	s26 =	simm.s32 $execute0_lowered;
	[smem:$0x3FD2] =	sst s25  }
0xa6: {  	s5 =	sshll.u32 s26, $0x1;
	_ =	strace $0x80000049;
	[dreg:$0x1] =	wrdreg $0xFFFFFFFF  }
0xa7: {  	s28 =	simm.s32 $_size_execute0_lowered;
	s3 =	sadd.s32 s3, s5;
	[dreg:$0x0] =	wrdreg $0x0  }
0xa8: {  	s5 =	sshll.u32 s28, $0x1;
	[dreg:$0x2] =	wrdreg s3  }
0xa9: {  	[dreg:$0x3] =	wrdreg s5  }
0xaa: {  	[dreg:$0x4] =	wrdreg $0xC0  }
0xab: {  	_ =	task [dreg:s7], $0x5FFFF  }
0xac: {  	[dreg:$0x1] =	wrdreg $0xFFFFFFFF  }
0xad: {  	[dreg:$0x0] =	wrdreg $0x60  }
0xae: {  	[dreg:$0x2] =	wrdreg s2  }
0xaf: {  	[dreg:$0x3] =	wrdreg s24  }
0xb0: {  	[dreg:$0x4] =	wrdreg $0xC7000  }
0xb1: {  	[dreg:$0x5] =	wrdreg $0x9  }
0xb2: {  	_ =	task.clear_ibuf [dreg:s7], $0x6FFFF;
	_ =	strace $0x90000049  }
0xb3: {  	s29 =	simm.s32 $0x9;
	_ =	strace $0x8000004B  }
0xb4: {  	_ =	swait.ge [sflag:s29], $0x1  }
0xb5: {  	[sflag:s29] =	ssyncadd.s32 $0xFFFFFFFF  }
0xb6: {  	_ =	strace $0x9000004B  }
0xb7: {  	_ =	sfence  }
0xb8: {  	s30 =	sld [smem:$0x0];
	_ =	sdelay $0x2  }
0xb9: {  	s31 =	sshll.u32 s1, $0xD;
	s1 =	sshrl.u32 s1, $0x2  }
0xba: {  	s3 =	sand.u32 $0x4000, s31;
	s1 =	sadd.s32 s1, s30  }
0xbb: {  	s0 =	sor.u32 s3, s0;
	s1 =	sshll.u32 s1, $0x11  }
0xbc: {  	s0 =	sor.u32 s1, s0  }
0xbd: {  	s0 =	sadd.s32 $0x8F2B, s0  }
0xbe: {  	[sflag:s0] =	ssyncadd.remote.s32 $0x1  }
0xbf: {  	_ =	sfence.sel $0xFFFF  }
0xc0: {  	[dreg:$0x0] =	wrdreg $0xFFFFFFFF;
	(pc) =	sbr.abs _section_cstart, $3  }
0xc1: {  	[dreg:$0x1] =	wrdreg $0xFFFFFFFF  }
0xc2: {  	_ =	task.clear_ibuf [dreg:s7], $0x2FFFF;
	_ =	strace $0x9FFFFFFF  }
0xc3: {  	(tm) =	ssettm $0x7FFFFFFF  }
tec
execute0_lowered:
.L_overlay_start_1:
0x0: {  	(tag) =	ssettag $0x1  }
0x1: {  	s0 =	srdreg.scid;
	s7 =	rddreg [dreg:$0x1]  }
0x2: {  	s14 =	stileid.u32;
	s3 =	rddreg [dreg:$0x2];
	s16 =	simm.s32 $0x80  }
0x3: {  	s17 =	simm.s32 $0x400;
	s18 =	simm.s32 $0x2780;
	s19 =	simm.s32 $0x50  }
0x4: {  	s20 =	simm.s32 $0x4F00;
	s21 =	simm.s32 $0x7700;
	s23 =	simm.s32 $0x9F00  }
0x5: {  	s24 =	simm.s32 $0x1;
	s28 =	simm.s32 $0x2;
	s29 =	simm.s32 $0x3  }
0x6: {  	s30 =	simm.s32 $0x4;
	s22 =	simm.s32 $0x4E40;
	s0 =	sand.u32 $0x1, s0  }
0x7: {  	s4 =	sshll.u32 s14, $0x7;
	s9 =	smul.u32 $0x4E000, s14;
	s10 =	sadd.s32 $0x66400, s7  }
0x8: {  	s26 =	sshll.u32 s14, $0x6;
	s31 =	smul.u32 $0x13800, s14;
	s15 =	sadd.s32 $0x138000, s3  }
0x9: {  	p0 =	sne.s32 s14, $0xF;
	s1 =	sshll.u32 s0, $0x4;
	s5 =	sand.u32 $0x380, s4  }
0xa: {  	s4 =	simm.s32 $0x0;
	s6 =	ssub.s32 $0x2, s0;
	s0 =	smul.u32 $0x138800, s0  }
0xb: {  	s15 =	sshrl.u32 @!p0 s15, $0x3;
	s2 =	sor.u32 s14, s1;
	s1 =	rddreg [dreg:$0x0]  }
0xc: {  	[smem:$0x7FF] =	sst s4;
	s8 =	sshrl.u32 s6, $0x1;
	s25 =	sshrl.u32 s9, $0x2  }
0xd: {  	s14 =	simm.s32 $0x5;
	s2 =	sshrl.u32 s2, $0x3;
	_ =	strace $0x8000004A  }
0xe: {  	s12 =	ssub.s32 s6, s8;
	s13 =	sadd.s32 s25, s3;
	s6 =	sor.u32 $0x1C05, s26  }
0xf: {  	s9 =	sadd.s32 s31, s0;
	s0 =	sshrl.u32 s0, $0x3;
	s2 =	smul.u32 $0x13C00, s2  }
0x10: {  	s25 =	simm.s32 $0x0;
	s11 =	sshrl.u32 s9, $0x3;
	s0 =	sadd.s32 s10, s0  }
0x11: {  	s12 =	smax.u32 s12, $0x1;
	s13 =	sshrl.u32 s13, $0x3;
	s2 =	sor.u32 s5, s2  }
0x12: {  	s10 =	sadd.s32 s10, s11;
	s11 =	sadd.s32 $0x27000, s0;
	s2 =	sshrl.u32 s2, $0x3  }
0x13: {  	s0 =	simm.s32 $0x26C0;
	s5 =	sadd.s32 $0x63C00, s7;
	s2 =	sadd.s32 s2, s7  }
0x14: {  	s7 =	sadd.s32 $0x66300, s7;
	s8 =	sadd.s32 $0xBC00, s2;
	s9 =	sadd.s32 $0x1E00, s2  }
.LBB2_1:
0x15: {  	[spmem:s13], [sflag:s6] =	dma.local [hbm:s5], $0x2700  }
0x16: {  	_ =	swait.ge [sflag:s14], $0x2700  }
0x17: {  	[sflag:s14] =	ssyncset.done $0x0  }
0x18: {  	s26 =	simm.s32 @!p0 $0x5;
	[sflag:s14] =	ssyncadd.s32 $0xFFFFD900  }
0x19: {  	[spmem:s15], [sflag:s6] =	dma.local @!p0 [hbm:s7], $0x100  }
0x1a: {  	_ =	swait.ge @!p0 [sflag:s26], $0x100  }
0x1b: {  	[sflag:s26] =	ssyncset.done @!p0 $0x0  }
0x1c: {  	[sflag:s26] =	ssyncadd.s32 @!p0 $0xFFFFFF00  }
0x1d: {  	[tilespmem:s4], [sflag:$0x5] =	stream.strided.gather [hbm4b:s8+s16], $0x2780, s17, s16, $0x38;
	[tilespmem:$0x1FF80] =	vst v63  }
0x1e: {  	_ =	swait.ge [sflag:s14], $0x2780  }
0x1f: {  	[sflag:s14] =	ssyncset.done $0x0  }
0x20: {  	[sflag:s14] =	ssyncadd.s32 $0xFFFFD880  }
0x21: {  	[tilespmem:s18], [sflag:$0x5] =	stream.strided.gather [hbm4b:s9+s16], $0x2780, s17, s16, $0x38;
	[tilespmem:$0x1FF80] =	vst v63  }
0x22: {  	_ =	swait.ge [sflag:s14], $0x2780  }
0x23: {  	[sflag:s14] =	ssyncset.done $0x0  }
0x24: {  	[sflag:s14] =	ssyncadd.s32 $0xFFFFD880  }
0x25: {  	[bflag:$0x0] =	sbarrier.arrive $0xFFFF  }
0x26: {  	[tilespmem:s20], [sflag:$0x1] =	stream.indirect.gather [hbm4b:s1+s19], $0x80, s4, s19, $0xb8;
	[tilespmem:$0x1FF80] =	vst v63  }
0x27: {  	_ = 	snop  }
0x28: {  	[tilespmem:s21], [sflag:$0x1] =	stream.indirect.gather [hbm4b:s1+s19], $0x80, s19, s19, $0xb8;
	[tilespmem:$0x1FF80] =	vst v63  }
0x29: {  	s2 =	simm.s32 $0xA0  }
0x2a: {  	[tilespmem:s23], [sflag:$0x1] =	stream.indirect.gather [hbm4b:s1+s19], $0x80, s2, s19, $0xb8;
	[tilespmem:$0x1FF80] =	vst v63  }
0x2b: {  	_ =	swait.ge [sflag:s24], $0x2800  }
0x2c: {  	[sflag:s24] =	ssyncset.done $0x0  }
0x2d: {  	[sflag:s24] =	ssyncadd.s32 $0xFFFFD800  }
0x2e: {  	[spmem:s3] =	stream.indirect.scatter.add.f32 [tilespmem:s20], [sflag:$0x2], $0x80, s18, s19, $0xb8;
	[tilespmem:$0x1FF80] =	vst v63  }
0x2f: {  	_ =	swait.ge [sflag:s24], $0x2800  }
0x30: {  	[sflag:s24] =	ssyncset.done $0x0  }
0x31: {  	s26 =	simm.s32 $0x27D0;
	[sflag:s24] =	ssyncadd.s32 $0xFFFFD800  }
0x32: {  	[spmem:s3] =	stream.indirect.scatter.add.f32 [tilespmem:s21], [sflag:$0x3], $0x80, s26, s19, $0xb8;
	[tilespmem:$0x1FF80] =	vst v63  }
0x33: {  	_ =	swait.ge [sflag:s24], $0x2800  }
0x34: {  	[sflag:s24] =	ssyncset.done $0x0  }
0x35: {  	s26 =	simm.s32 $0x2820;
	[sflag:s24] =	ssyncadd.s32 $0xFFFFD800  }
0x36: {  	[spmem:s3] =	stream.indirect.scatter.add.f32 [tilespmem:s23], [sflag:$0x4], $0x80, s26, s19, $0xb8;
	[tilespmem:$0x1FF80] =	vst v63  }
0x37: {  	_ =	swait.ge [sflag:s28], $0x2800  }
0x38: {  	[sflag:s28] =	ssyncset.done $0x0  }
0x39: {  	s2 =	simm.s32 $0xF0;
	[sflag:s28] =	ssyncadd.s32 $0xFFFFD800  }
0x3a: {  	[tilespmem:s20], [sflag:$0x1] =	stream.indirect.gather [hbm4b:s1+s19], $0x80, s2, s19, $0xb8;
	[tilespmem:$0x1FF80] =	vst v63  }
0x3b: {  	_ =	swait.ge [sflag:s29], $0x2800  }
0x3c: {  	[sflag:s29] =	ssyncset.done $0x0  }
0x3d: {  	s2 =	simm.s32 $0x140;
	[sflag:s29] =	ssyncadd.s32 $0xFFFFD800  }
0x3e: {  	[tilespmem:s21], [sflag:$0x1] =	stream.indirect.gather [hbm4b:s1+s19], $0x80, s2, s19, $0xb8;
	[tilespmem:$0x1FF80] =	vst v63  }
0x3f: {  	_ =	swait.ge [sflag:s30], $0x2800  }
0x40: {  	[sflag:s30] =	ssyncset.done $0x0  }
0x41: {  	s2 =	simm.s32 $0x190;
	[sflag:s30] =	ssyncadd.s32 $0xFFFFD800  }
0x42: {  	[tilespmem:s23], [sflag:$0x1] =	stream.indirect.gather [hbm4b:s1+s19], $0x80, s2, s19, $0xb8;
	[tilespmem:$0x1FF80] =	vst v63  }
0x43: {  	_ =	swait.ge [sflag:s24], $0x2800  }
0x44: {  	[sflag:s24] =	ssyncset.done $0x0  }
0x45: {  	s2 =	simm.s32 $0x2870;
	[sflag:s24] =	ssyncadd.s32 $0xFFFFD800  }
0x46: {  	[spmem:s3] =	stream.indirect.scatter.add.f32 [tilespmem:s20], [sflag:$0x2], $0x80, s2, s19, $0xb8;
	[tilespmem:$0x1FF80] =	vst v63  }
0x47: {  	_ =	swait.ge [sflag:s24], $0x2800  }
0x48: {  	[sflag:s24] =	ssyncset.done $0x0  }
0x49: {  	s2 =	simm.s32 $0x28C0;
	[sflag:s24] =	ssyncadd.s32 $0xFFFFD800  }
0x4a: {  	[spmem:s3] =	stream.indirect.scatter.add.f32 [tilespmem:s21], [sflag:$0x3], $0x80, s2, s19, $0xb8;
	[tilespmem:$0x1FF80] =	vst v63  }
0x4b: {  	_ =	swait.ge [sflag:s24], $0x2800  }
0x4c: {  	[sflag:s24] =	ssyncset.done $0x0  }
0x4d: {  	s31 =	simm.s32 $0x2910;
	s26 =	simm.s32 $0x3C0;
	[sflag:s24] =	ssyncadd.s32 $0xFFFFD800  }
.LBB2_2:
0x4e: {  	[spmem:s3] =	stream.indirect.scatter.add.f32 [tilespmem:s23], [sflag:$0x4], $0x80, s31, s19, $0xb8;
	[tilespmem:$0x1FF80] =	vst v63  }
0x4f: {  	s31 =	smov.u32 s26  }
0x50: {  	p1 =	sne.s32 s26, $0x9240;
	s26 =	sadd.s32 $0x3C0, s26;
	_ =	swait.ge [sflag:s28], $0x2800  }
0x51: {  	s31 =	sshra.s32 s31, $0x2;
	[sflag:s28] =	ssyncset.done $0x0  }
0x52: {  	s2 =	sadd.s32 $0xF0, s31;
	[sflag:s28] =	ssyncadd.s32 $0xFFFFD800  }
0x53: {  	[tilespmem:s20], [sflag:$0x1] =	stream.indirect.gather [hbm4b:s1+s19], $0x80, s2, s19, $0xb8;
	[tilespmem:$0x1FF80] =	vst v63  }
0x54: {  	_ =	swait.ge [sflag:s29], $0x2800  }
0x55: {  	[sflag:s29] =	ssyncset.done $0x0  }
0x56: {  	s2 =	sadd.s32 $0x140, s31;
	[sflag:s29] =	ssyncadd.s32 $0xFFFFD800  }
0x57: {  	[tilespmem:s21], [sflag:$0x1] =	stream.indirect.gather [hbm4b:s1+s19], $0x80, s2, s19, $0xb8;
	[tilespmem:$0x1FF80] =	vst v63  }
0x58: {  	_ =	swait.ge [sflag:s30], $0x2800  }
0x59: {  	[sflag:s30] =	ssyncset.done $0x0  }
0x5a: {  	s2 =	sadd.s32 $0x190, s31;
	[sflag:s30] =	ssyncadd.s32 $0xFFFFD800  }
0x5b: {  	[tilespmem:s23], [sflag:$0x1] =	stream.indirect.gather [hbm4b:s1+s19], $0x80, s2, s19, $0xb8;
	[tilespmem:$0x1FF80] =	vst v63  }
0x5c: {  	_ =	swait.ge [sflag:s24], $0x2800  }
0x5d: {  	[sflag:s24] =	ssyncset.done $0x0  }
0x5e: {  	s2 =	sadd.s32 $0x2870, s31;
	[sflag:s24] =	ssyncadd.s32 $0xFFFFD800  }
0x5f: {  	[spmem:s3] =	stream.indirect.scatter.add.f32 [tilespmem:s20], [sflag:$0x2], $0x80, s2, s19, $0xb8;
	[tilespmem:$0x1FF80] =	vst v63  }
0x60: {  	_ =	swait.ge [sflag:s24], $0x2800  }
0x61: {  	[sflag:s24] =	ssyncset.done $0x0  }
.Ltmp0:
0x62: {  	s2 =	sadd.s32 $0x28C0, s31;
	[sflag:s24] =	ssyncadd.s32 $0xFFFFD800;
	(pc) =	sbr.rel @p1 .LBB2_2-.Ltmp0, $4  }
0x63: {  	[spmem:s3] =	stream.indirect.scatter.add.f32 [tilespmem:s21], [sflag:$0x3], $0x80, s2, s19, $0xb8;
	[tilespmem:$0x1FF80] =	vst v63  }
0x64: {  	_ =	swait.ge [sflag:s24], $0x2800  }
0x65: {  	[sflag:s24] =	ssyncset.done $0x0  }
0x66: {  	s31 =	sadd.s32 $0x2910, s31;
	[sflag:s24] =	ssyncadd.s32 $0xFFFFD800  }
0x67: {  	[spmem:s3] =	stream.indirect.scatter.add.f32 [tilespmem:s23], [sflag:$0x4], $0x80, s31, s19, $0xb8;
	[tilespmem:$0x1FF80] =	vst v63  }
0x68: {  	_ =	swait.ge [sflag:s28], $0x2800  }
0x69: {  	[sflag:s28] =	ssyncset.done $0x0  }
0x6a: {  	s2 =	simm.s32 $0x2670;
	[sflag:s28] =	ssyncadd.s32 $0xFFFFD800  }
0x6b: {  	[tilespmem:s20], [sflag:$0x1] =	stream.indirect.gather [hbm4b:s1+s19], $0x80, s2, s19, $0xb8;
	[tilespmem:$0x1FF80] =	vst v63  }
0x6c: {  	_ =	swait.ge [sflag:s24], $0x2800  }
0x6d: {  	[sflag:s24] =	ssyncset.done $0x0  }
0x6e: {  	s31 =	simm.s32 $0x4DF0;
	[sflag:s24] =	ssyncadd.s32 $0xFFFFD800  }
0x6f: {  	[spmem:s3] =	stream.indirect.scatter.add.f32 [tilespmem:s20], [sflag:$0x5], $0x80, s31, s19, $0xb8;
	[tilespmem:$0x1FF80] =	vst v63  }
0x70: {  	_ =	swait.ge [sflag:s14], $0x2800  }
0x71: {  	[sflag:s14] =	ssyncset.done $0x0  }
0x72: {  	[sflag:s14] =	ssyncadd.s32 $0xFFFFD800  }
0x73: {  	_ =	swait.ge [sflag:s29], $0x2800  }
0x74: {  	[sflag:s29] =	ssyncset.done $0x0  }
0x75: {  	[sflag:s29] =	ssyncadd.s32 $0xFFFFD800  }
0x76: {  	[tilespmem:s21], [sflag:$0x1] =	stream.indirect.gather [hbm4b:s1+s19], $0x80, s0, s19, $0xb8;
	[tilespmem:$0x1FF80] =	vst v63  }
0x77: {  	_ =	swait.ge [sflag:s24], $0x2800  }
0x78: {  	[sflag:s24] =	ssyncset.done $0x0  }
0x79: {  	[sflag:s24] =	ssyncadd.s32 $0xFFFFD800  }
0x7a: {  	[spmem:s3] =	stream.indirect.scatter.add.f32 [tilespmem:s21], [sflag:$0x5], $0x80, s22, s19, $0xb8;
	[tilespmem:$0x1FF80] =	vst v63  }
0x7b: {  	_ =	swait.ge [sflag:s14], $0x2800  }
0x7c: {  	[sflag:s14] =	ssyncset.done $0x0  }
0x7d: {  	[sflag:s14] =	ssyncadd.s32 $0xFFFFD800  }
0x7e: {  	_ =	swait.ge [sflag:s30], $0x2800  }
0x7f: {  	[sflag:s30] =	ssyncset.done $0x0  }
0x80: {  	[sflag:s30] =	ssyncadd.s32 $0xFFFFD800  }
0x81: {  	[bflag:$0x0] =	sbarrier.arrive $0xFFFF  }
0x82: {  	[hbm:s10], [sflag:s6] =	dma.local [spmem:s13], $0x2700  }
0x83: {  	s25 =	sadd.s32 $0x1, s25;
	_ =	swait.ge [sflag:s14], $0x2700  }
0x84: {  	p1 =	sne.s32 s25, s12;
	[sflag:s14] =	ssyncset.done $0x0  }
.Ltmp1:
0x85: {  	s2 =	simm.s32 @!p0 $0x5;
	[sflag:s14] =	ssyncadd.s32 $0xFFFFD900;
	(pc) =	sbr.rel @p1 .LBB2_1-.Ltmp1, $4  }
0x86: {  	[hbm:s11], [sflag:s6] =	dma.local @!p0 [spmem:s15], $0x100  }
0x87: {  	_ =	swait.ge @!p0 [sflag:s2], $0x100  }
0x88: {  	[sflag:s2] =	ssyncset.done @!p0 $0x0  }
0x89: {  	[sflag:s2] =	ssyncadd.s32 @!p0 $0xFFFFFF00  }
0x8a: {  	_ =	sfence.sel $0x180000  }
0x8b: {  	[bflag:$0x0] =	sbarrier.arrive $0xFFFF  }
0x8c: {  	_ =	strace $0x9000004A  }
0x8d: {  	s0 =	stileid.u32;
	[bflag:$0x2] =	sbarrier.arrive $0xFFFF  }
0x8e: {  	p0 =	sne.s32 s0, $0x0;
	s0 =	rddreg [dreg:$0x3]  }
0x8f: {  	s0 =	sadd.s32 @!p0 $0x100000, s0  }
0x90: {  	[sflag:s0] =	ssyncadd.tile.s32 @!p0 $0x1;
	_ =	shalt  }
.Lfunc_end2:
_tile_overlayer_lowered:
.L_overlay_start_2:
0x91: {  	(tag) =	ssettag $0x2  }
0x92: {  	s0 =	rddreg [dreg:$0x0];
	s2 =	stileid.u32  }
0x93: {  	s1 =	rddreg [dreg:$0x1];
	p0 =	sne.s32 s2, $0x0  }
0x94: {  	s3 =	rddreg [dreg:$0x2];
	[bflag:$0x3] =	sbarrier.arrive $0xFFFF;
	s2 =	simm.s32 @!p0 $0x1C05  }
0x95: {  	[timem:s3], [sflag:s2] =	dma.local @!p0 [hbm:s0], s1  }
0x96: {  	s0 =	simm.s32 @!p0 $0x5  }
0x97: {  	_ =	swait.ge @!p0 [sflag:s0], s1  }
0x98: {  	s1 =	ssub.s32 @!p0 $0x0, s1;
	[sflag:s0] =	ssyncset.done @!p0 $0x0  }
0x99: {  	[sflag:s0] =	ssyncadd.s32 @!p0 s1  }
0x9a: {  	[bflag:$0x3] =	sbarrier.arrive $0xFFFF  }
0x9b: {  	_ =	shalt  }

</sc_bundles>
